<compile_context>
chip_gen: v7x
topology: tpu7x:2x2x1
jax: 0.10.2.dev20260603
libtpu: 0.0.44.dev20260713+nightly
codegen_flags: <defaults>
</compile_context>

<pallas_src>
import functools

import jax
import jax.numpy as jnp
from jax import lax
from jax.experimental import pallas as pl
from jax.experimental.pallas import tpu as pltpu
from jax.experimental.pallas import tpu_sc as plsc

B = 16384
EPS = 1e-5

NC, NS, L = 2, 16, 16
NW = NC * NS
BPW = B // NW
NCHUNK = BPW // 128

_sc_mesh = plsc.VectorSubcoreMesh(core_axis_name="c", subcore_axis_name="s")


@functools.partial(
    pl.kernel,
    mesh=_sc_mesh,
    out_type=jax.ShapeDtypeStruct((B, 128), jnp.float32),
    scratch_types=[
        pltpu.VMEM((BPW,), jnp.float32),
        pltpu.VMEM((BPW,), jnp.float32),
        pltpu.VMEM((NCHUNK, 128), jnp.int32),
        pltpu.VMEM((BPW, 128), jnp.float32),
        pltpu.SemaphoreType.DMA,
    ],
)
def _sc_gather(sidx_hbm, fidx_hbm, combo_hbm, out_hbm,
               sidx_v, fidx_v, idx_v, rows_v, sem):
    wid = lax.axis_index("s") * NC + lax.axis_index("c")
    base = wid * BPW
    pltpu.sync_copy(sidx_hbm.at[pl.ds(base, BPW)], sidx_v)
    pltpu.sync_copy(fidx_hbm.at[pl.ds(base, BPW)], fidx_v)
    for i in range(BPW // L):
        s = sidx_v[pl.ds(i * L, L)].astype(jnp.int32)
        f = fidx_v[pl.ds(i * L, L)].astype(jnp.int32)
        idx_v[i // 8, pl.ds((i % 8) * L, L)] = s * 33 + f
    for j in range(NCHUNK):
        pltpu.async_copy(combo_hbm.at[idx_v.at[j]],
                         rows_v.at[pl.ds(j * 128, 128)], sem).wait()
    pltpu.sync_copy(rows_v, out_hbm.at[pl.ds(base, BPW)])


def _mlp_body(X_ref, pairs_ref, W1a_ref, W1bc_ref, b1_ref,
              g1_ref, be1_ref, W2_ref, b2_ref, g2_ref, be2_ref,
              W3_ref, b3_ref, out_ref):
    X = X_ref[...]
    h = (jnp.dot(X[:, 0:8], W1a_ref[...], preferred_element_type=jnp.float32)
         + jnp.dot(pairs_ref[...], W1bc_ref[...],
                   preferred_element_type=jnp.float32)
         + b1_ref[...])
    h = jnp.maximum(h, 0.0)
    mu = jnp.mean(h, axis=0, keepdims=True)
    var = jnp.mean((h - mu) * (h - mu), axis=0, keepdims=True)
    h = g1_ref[...] * (h - mu) * lax.rsqrt(var + EPS) + be1_ref[...]

    h = jnp.dot(h, W2_ref[...], preferred_element_type=jnp.float32) + b2_ref[...]
    h = jnp.maximum(h, 0.0)
    mu2 = jnp.mean(h, axis=0, keepdims=True)
    var2 = jnp.mean((h - mu2) * (h - mu2), axis=0, keepdims=True)
    h = g2_ref[...] * (h - mu2) * lax.rsqrt(var2 + EPS) + be2_ref[...]

    out_ref[...] = (jnp.dot(h, W3_ref[...], preferred_element_type=jnp.float32)
                    + b3_ref[...])


def kernel(X, family_table, store_table, W1, b1, g1, be1, W2, b2, g2, be2, W3, b3):
    sidx_f = X[:, 8]
    fidx_f = X[:, 9]
    fam_part = jnp.tile(family_table, (54, 1))
    sto_part = jnp.repeat(store_table, 33, axis=0)
    combo = jnp.concatenate(
        [fam_part, sto_part, jnp.zeros((1782, 98), jnp.float32)], axis=1)
    combo = jnp.concatenate([combo, jnp.zeros((2, 128), jnp.float32)], axis=0)

    pairs = _sc_gather(sidx_f, fidx_f, combo)

    W1a = W1[0:8]
    W1bc = jnp.concatenate(
        [W1[8:23], W1[23:38], jnp.zeros((98, 20), jnp.float32)], axis=0)
    args = (X, pairs, W1a, W1bc,
            b1.reshape(1, -1), g1.reshape(1, -1), be1.reshape(1, -1),
            W2, b2.reshape(1, -1), g2.reshape(1, -1), be2.reshape(1, -1),
            W3, b3.reshape(1, -1))
    return pl.pallas_call(
        _mlp_body,
        out_shape=jax.ShapeDtypeStruct((B, 1), jnp.float32),
    )(*args)

# --- scband reference (transcript-rebuilt; emitter-appended) ---
"""Pipeline reference for scband-ff-nn-emb-72249939853435 (READ-ONLY COPY).

The authoritative reference and input builder live on the scoring server;
editing this copy changes nothing except your own understanding.
"""

import jax, jax.numpy as jnp
import numpy as np

B = 16384

def _batchnorm(h, gamma, beta, eps=1e-5):
    mu = jnp.mean(h, axis=0)
    var = jnp.var(h, axis=0)
    return gamma * (h - mu) / jnp.sqrt(var + eps) + beta

def setup_inputs(seed: int = 0) -> dict:
    key = jax.random.key(seed)
    ks = jax.random.split(key, 16)
    feats = jax.random.normal(ks[0], (B, 8), dtype=jnp.float32)
    store_idx = jax.random.randint(ks[1], (B,), 0, 54).astype(jnp.float32)
    family_idx = jax.random.randint(ks[2], (B,), 0, 33).astype(jnp.float32)
    X = jnp.concatenate([feats, store_idx[:, None], family_idx[:, None]], axis=1)
    family_table = jax.random.normal(ks[3], (33, 15), dtype=jnp.float32)
    store_table = jax.random.normal(ks[4], (54, 15), dtype=jnp.float32)
    W1 = jax.random.normal(ks[5], (38, 20), dtype=jnp.float32) * (1.0 / np.sqrt(38))
    b1 = jnp.zeros((20,), dtype=jnp.float32)
    g1 = jnp.ones((20,), dtype=jnp.float32)
    be1 = jnp.zeros((20,), dtype=jnp.float32)
    W2 = jax.random.normal(ks[6], (20, 10), dtype=jnp.float32) * (1.0 / np.sqrt(20))
    b2 = jnp.zeros((10,), dtype=jnp.float32)
    g2 = jnp.ones((10,), dtype=jnp.float32)
    be2 = jnp.zeros((10,), dtype=jnp.float32)
    W3 = jax.random.normal(ks[7], (10, 1), dtype=jnp.float32) * (1.0 / np.sqrt(10))
    b3 = jnp.zeros((1,), dtype=jnp.float32)
    return {"X": X, "family_table": family_table, "store_table": store_table,
            "W1": W1, "b1": b1, "g1": g1, "be1": be1,
            "W2": W2, "b2": b2, "g2": g2, "be2": be2,
            "W3": W3, "b3": b3}

def reference(X, family_table, store_table, W1, b1, g1, be1, W2, b2, g2, be2, W3, b3):
    store_idx = X[:, -2].astype(jnp.int32)
    family_idx = X[:, -1].astype(jnp.int32)
    store_e = jnp.take(store_table, store_idx, axis=0)
    family_e = jnp.take(family_table, family_idx, axis=0)
    Xc = jnp.concatenate([X[:, :-2], family_e, store_e], axis=1)
    h = jnp.dot(Xc, W1) + b1
    h = jax.nn.relu(h)
    h = _batchnorm(h, g1, be1)
    h = jnp.dot(h, W2) + b2
    h = jax.nn.relu(h)
    h = _batchnorm(h, g2, be2)
    out = jnp.dot(h, W3) + b3
    return out

if __name__ == "__main__":
    import jax
    _d = setup_inputs()
    print(jax.jit(kernel)(*tuple(_d.values())))

</pallas_src>

<mosaic_0001>
#map = affine_map<(d0, d1) -> (0)>
#map1 = affine_map<(d0, d1) -> (0, 0)>
module attributes {stable_mosaic.version = 14 : i64} {
  func.func @_sc_gather(%arg0: i32, %arg1: i32, %arg2: memref<16384xf32, #tpu.memory_space<hbm>>, %arg3: memref<16384xf32, #tpu.memory_space<hbm>>, %arg4: memref<1784x128xf32, #tpu.memory_space<hbm>>, %arg5: memref<16384x128xf32, #tpu.memory_space<hbm>>, %arg6: memref<512xf32, #tpu.memory_space<vmem>>, %arg7: memref<512xf32, #tpu.memory_space<vmem>>, %arg8: memref<4x128xi32, #tpu.memory_space<vmem>>, %arg9: memref<512x128xf32, #tpu.memory_space<vmem>>, %arg10: memref<!tpu.dma_semaphore, #tpu.memory_space<semaphore_mem>>) attributes {dimension_semantics = [#tpu.dimension_semantics<core_parallel>, #tpu.dimension_semantics<subcore_parallel>], iteration_bounds = array<i64: 2, 16>, scalar_prefetch = 0 : i64, scratch_operands = 5 : i64, tpu.core_type = #tpu.core_type<sc_vector_subcore>, window_params = [{transform_indices = #map}, {transform_indices = #map}, {transform_indices = #map1}, {transform_indices = #map1}]} {
    %mul3A = arith.constant 2 : i32
    %mul3A_0 = arith.muli %arg1, %mul3A : i32
    %add3A = arith.addi %mul3A_0, %arg0 : i32
    %mul3A_1 = arith.constant 512 : i32
    %mul3A_2 = arith.muli %add3A, %mul3A_1 : i32
    "tpu.region"() ({
      %run_scoped3A = tpu.sem_alloc : memref<!tpu.dma_semaphore, #tpu.memory_space<semaphore_mem>>
      %dma_start3A_654 = tpu.memref_slice %arg2[%mul3A_2] : memref<16384xf32, #tpu.memory_space<hbm>> -> memref<512xf32, #tpu.memory_space<hbm>>
      %dma_start3A_655 = tpu.memref_slice %arg2[%mul3A_2] : memref<16384xf32, #tpu.memory_space<hbm>> -> memref<512xf32, #tpu.memory_space<hbm>>
      tpu.enqueue_dma source(%dma_start3A_655 : memref<512xf32, #tpu.memory_space<hbm>>) target(%arg6 : memref<512xf32, #tpu.memory_space<vmem>>) target_semaphore(%run_scoped3A : memref<!tpu.dma_semaphore, #tpu.memory_space<semaphore_mem>>)
      %dma_wait3A_656 = tpu.memref_slice %arg2[%mul3A_2] : memref<16384xf32, #tpu.memory_space<hbm>> -> memref<512xf32, #tpu.memory_space<hbm>>
      %dma_wait3A_657 = tpu.memref_slice %arg2[%mul3A_2] : memref<16384xf32, #tpu.memory_space<hbm>> -> memref<512xf32, #tpu.memory_space<hbm>>
      tpu.wait_dma2 semaphore(%run_scoped3A : memref<!tpu.dma_semaphore, #tpu.memory_space<semaphore_mem>>) src(%dma_wait3A_657 : memref<512xf32, #tpu.memory_space<hbm>>) dst(%arg6 : memref<512xf32, #tpu.memory_space<vmem>>)
      tpu.yield
    }) : () -> ()
    "tpu.region"() ({
      %run_scoped3A = tpu.sem_alloc : memref<!tpu.dma_semaphore, #tpu.memory_space<semaphore_mem>>
      %dma_start3A_654 = tpu.memref_slice %arg3[%mul3A_2] : memref<16384xf32, #tpu.memory_space<hbm>> -> memref<512xf32, #tpu.memory_space<hbm>>
      %dma_start3A_655 = tpu.memref_slice %arg3[%mul3A_2] : memref<16384xf32, #tpu.memory_space<hbm>> -> memref<512xf32, #tpu.memory_space<hbm>>
      tpu.enqueue_dma source(%dma_start3A_655 : memref<512xf32, #tpu.memory_space<hbm>>) target(%arg7 : memref<512xf32, #tpu.memory_space<vmem>>) target_semaphore(%run_scoped3A : memref<!tpu.dma_semaphore, #tpu.memory_space<semaphore_mem>>)
      %dma_wait3A_656 = tpu.memref_slice %arg3[%mul3A_2] : memref<16384xf32, #tpu.memory_space<hbm>> -> memref<512xf32, #tpu.memory_space<hbm>>
      %dma_wait3A_657 = tpu.memref_slice %arg3[%mul3A_2] : memref<16384xf32, #tpu.memory_space<hbm>> -> memref<512xf32, #tpu.memory_space<hbm>>
      tpu.wait_dma2 semaphore(%run_scoped3A : memref<!tpu.dma_semaphore, #tpu.memory_space<semaphore_mem>>) src(%dma_wait3A_657 : memref<512xf32, #tpu.memory_space<hbm>>) dst(%arg7 : memref<512xf32, #tpu.memory_space<vmem>>)
      tpu.yield
    }) : () -> ()
    %get3A = arith.constant 0 : index
    %get3A_3 = tpu.vector_load %arg6[%get3A] {strides = array<i32>} : memref<512xf32, #tpu.memory_space<vmem>>, vector<16xf32>,
    %get3A_4 = vector.shape_cast %get3A_3 : vector<16xf32> to vector<16xf32>
    %convert_element_type3A = arith.fptosi %get3A_4 : vector<16xf32> to vector<16xi32>
    %get3A_5 = arith.constant 0 : index
    %get3A_6 = tpu.vector_load %arg7[%get3A_5] {strides = array<i32>} : memref<512xf32, #tpu.memory_space<vmem>>, vector<16xf32>,
    %get3A_7 = vector.shape_cast %get3A_6 : vector<16xf32> to vector<16xf32>
    %convert_element_type3A_8 = arith.fptosi %get3A_7 : vector<16xf32> to vector<16xi32>
    %mul3A_9 = arith.constant 33 : i32
    %mul3A_10 = vector.broadcast %mul3A_9 : i32 to vector<16xi32>
    %mul3A_11 = arith.muli %convert_element_type3A, %mul3A_10 : vector<16xi32>
    %add3A_12 = arith.addi %mul3A_11, %convert_element_type3A_8 : vector<16xi32>
    %swap3A = arith.constant 0 : i32
    %swap3A_13 = arith.index_cast %swap3A : i32 to index
    %swap3A_14 = arith.constant 0 : index
    %swap3A_15 = tpu.vector_load %arg8[%swap3A_13, %swap3A_14] {strides = array<i32>} : memref<4x128xi32, #tpu.memory_space<vmem>>, vector<1x16xi32>,
    %swap3A_16 = vector.shape_cast %swap3A_15 : vector<1x16xi32> to vector<16xi32>
    %swap3A_17 = vector.shape_cast %add3A_12 : vector<16xi32> to vector<1x16xi32>
    tpu.vector_store %arg8[%swap3A_13, %swap3A_14], %swap3A_17 {strides = array<i32>} : memref<4x128xi32, #tpu.memory_space<vmem>>, vector<1x16xi32>,
    %get3A_18 = arith.constant 16 : index
    %get3A_19 = tpu.vector_load %arg6[%get3A_18] {strides = array<i32>} : memref<512xf32, #tpu.memory_space<vmem>>, vector<16xf32>,
    %get3A_20 = vector.shape_cast %get3A_19 : vector<16xf32> to vector<16xf32>
    %convert_element_type3A_21 = arith.fptosi %get3A_20 : vector<16xf32> to vector<16xi32>
    %get3A_22 = arith.constant 16 : index
    %get3A_23 = tpu.vector_load %arg7[%get3A_22] {strides = array<i32>} : memref<512xf32, #tpu.memory_space<vmem>>, vector<16xf32>,
    %get3A_24 = vector.shape_cast %get3A_23 : vector<16xf32> to vector<16xf32>
    %convert_element_type3A_25 = arith.fptosi %get3A_24 : vector<16xf32> to vector<16xi32>
    %mul3A_26 = arith.constant 33 : i32
    %mul3A_27 = vector.broadcast %mul3A_26 : i32 to vector<16xi32>
    %mul3A_28 = arith.muli %convert_element_type3A_21, %mul3A_27 : vector<16xi32>
    %add3A_29 = arith.addi %mul3A_28, %convert_element_type3A_25 : vector<16xi32>
    %swap3A_30 = arith.constant 0 : i32
    %swap3A_31 = arith.index_cast %swap3A_30 : i32 to index
    %swap3A_32 = arith.constant 16 : index
    %swap3A_33 = tpu.vector_load %arg8[%swap3A_31, %swap3A_32] {strides = array<i32>} : memref<4x128xi32, #tpu.memory_space<vmem>>, vector<1x16xi32>,
    %swap3A_34 = vector.shape_cast %swap3A_33 : vector<1x16xi32> to vector<16xi32>
    %swap3A_35 = vector.shape_cast %add3A_29 : vector<16xi32> to vector<1x16xi32>
    tpu.vector_store %arg8[%swap3A_31, %swap3A_32], %swap3A_35 {strides = array<i32>} : memref<4x128xi32, #tpu.memory_space<vmem>>, vector<1x16xi32>,
    %get3A_36 = arith.constant 32 : index
    %get3A_37 = tpu.vector_load %arg6[%get3A_36] {strides = array<i32>} : memref<512xf32, #tpu.memory_space<vmem>>, vector<16xf32>,
    %get3A_38 = vector.shape_cast %get3A_37 : vector<16xf32> to vector<16xf32>
    %convert_element_type3A_39 = arith.fptosi %get3A_38 : vector<16xf32> to vector<16xi32>
    %get3A_40 = arith.constant 32 : index
    %get3A_41 = tpu.vector_load %arg7[%get3A_40] {strides = array<i32>} : memref<512xf32, #tpu.memory_space<vmem>>, vector<16xf32>,
    %get3A_42 = vector.shape_cast %get3A_41 : vector<16xf32> to vector<16xf32>
    %convert_element_type3A_43 = arith.fptosi %get3A_42 : vector<16xf32> to vector<16xi32>
    %mul3A_44 = arith.constant 33 : i32
    %mul3A_45 = vector.broadcast %mul3A_44 : i32 to vector<16xi32>
    %mul3A_46 = arith.muli %convert_element_type3A_39, %mul3A_45 : vector<16xi32>
    %add3A_47 = arith.addi %mul3A_46, %convert_element_type3A_43 : vector<16xi32>
    %swap3A_48 = arith.constant 0 : i32
    %swap3A_49 = arith.index_cast %swap3A_48 : i32 to index
    %swap3A_50 = arith.constant 32 : index
    %swap3A_51 = tpu.vector_load %arg8[%swap3A_49, %swap3A_50] {strides = array<i32>} : memref<4x128xi32, #tpu.memory_space<vmem>>, vector<1x16xi32>,
    %swap3A_52 = vector.shape_cast %swap3A_51 : vector<1x16xi32> to vector<16xi32>
    %swap3A_53 = vector.shape_cast %add3A_47 : vector<16xi32> to vector<1x16xi32>
    tpu.vector_store %arg8[%swap3A_49, %swap3A_50], %swap3A_53 {strides = array<i32>} : memref<4x128xi32, #tpu.memory_space<vmem>>, vector<1x16xi32>,
    %get3A_54 = arith.constant 48 : index
    %get3A_55 = tpu.vector_load %arg6[%get3A_54] {strides = array<i32>} : memref<512xf32, #tpu.memory_space<vmem>>, vector<16xf32>,
    %get3A_56 = vector.shape_cast %get3A_55 : vector<16xf32> to vector<16xf32>
    %convert_element_type3A_57 = arith.fptosi %get3A_56 : vector<16xf32> to vector<16xi32>
    %get3A_58 = arith.constant 48 : index
    %get3A_59 = tpu.vector_load %arg7[%get3A_58] {strides = array<i32>} : memref<512xf32, #tpu.memory_space<vmem>>, vector<16xf32>,
    %get3A_60 = vector.shape_cast %get3A_59 : vector<16xf32> to vector<16xf32>
    %convert_element_type3A_61 = arith.fptosi %get3A_60 : vector<16xf32> to vector<16xi32>
    %mul3A_62 = arith.constant 33 : i32
    %mul3A_63 = vector.broadcast %mul3A_62 : i32 to vector<16xi32>
    %mul3A_64 = arith.muli %convert_element_type3A_57, %mul3A_63 : vector<16xi32>
    %add3A_65 = arith.addi %mul3A_64, %convert_element_type3A_61 : vector<16xi32>
    %swap3A_66 = arith.constant 0 : i32
    %swap3A_67 = arith.index_cast %swap3A_66 : i32 to index
    %swap3A_68 = arith.constant 48 : index
    %swap3A_69 = tpu.vector_load %arg8[%swap3A_67, %swap3A_68] {strides = array<i32>} : memref<4x128xi32, #tpu.memory_space<vmem>>, vector<1x16xi32>,
    %swap3A_70 = vector.shape_cast %swap3A_69 : vector<1x16xi32> to vector<16xi32>
    %swap3A_71 = vector.shape_cast %add3A_65 : vector<16xi32> to vector<1x16xi32>
    tpu.vector_store %arg8[%swap3A_67, %swap3A_68], %swap3A_71 {strides = array<i32>} : memref<4x128xi32, #tpu.memory_space<vmem>>, vector<1x16xi32>,
    %get3A_72 = arith.constant 64 : index
    %get3A_73 = tpu.vector_load %arg6[%get3A_72] {strides = array<i32>} : memref<512xf32, #tpu.memory_space<vmem>>, vector<16xf32>,
    %get3A_74 = vector.shape_cast %get3A_73 : vector<16xf32> to vector<16xf32>
    %convert_element_type3A_75 = arith.fptosi %get3A_74 : vector<16xf32> to vector<16xi32>
    %get3A_76 = arith.constant 64 : index
    %get3A_77 = tpu.vector_load %arg7[%get3A_76] {strides = array<i32>} : memref<512xf32, #tpu.memory_space<vmem>>, vector<16xf32>,
    %get3A_78 = vector.shape_cast %get3A_77 : vector<16xf32> to vector<16xf32>
    %convert_element_type3A_79 = arith.fptosi %get3A_78 : vector<16xf32> to vector<16xi32>
    %mul3A_80 = arith.constant 33 : i32
    %mul3A_81 = vector.broadcast %mul3A_80 : i32 to vector<16xi32>
    %mul3A_82 = arith.muli %convert_element_type3A_75, %mul3A_81 : vector<16xi32>
    %add3A_83 = arith.addi %mul3A_82, %convert_element_type3A_79 : vector<16xi32>
    %swap3A_84 = arith.constant 0 : i32
    %swap3A_85 = arith.index_cast %swap3A_84 : i32 to index
    %swap3A_86 = arith.constant 64 : index
    %swap3A_87 = tpu.vector_load %arg8[%swap3A_85, %swap3A_86] {strides = array<i32>} : memref<4x128xi32, #tpu.memory_space<vmem>>, vector<1x16xi32>,
    %swap3A_88 = vector.shape_cast %swap3A_87 : vector<1x16xi32> to vector<16xi32>
    %swap3A_89 = vector.shape_cast %add3A_83 : vector<16xi32> to vector<1x16xi32>
    tpu.vector_store %arg8[%swap3A_85, %swap3A_86], %swap3A_89 {strides = array<i32>} : memref<4x128xi32, #tpu.memory_space<vmem>>, vector<1x16xi32>,
    %get3A_90 = arith.constant 80 : index
    %get3A_91 = tpu.vector_load %arg6[%get3A_90] {strides = array<i32>} : memref<512xf32, #tpu.memory_space<vmem>>, vector<16xf32>,
    %get3A_92 = vector.shape_cast %get3A_91 : vector<16xf32> to vector<16xf32>
    %convert_element_type3A_93 = arith.fptosi %get3A_92 : vector<16xf32> to vector<16xi32>
    %get3A_94 = arith.constant 80 : index
    %get3A_95 = tpu.vector_load %arg7[%get3A_94] {strides = array<i32>} : memref<512xf32, #tpu.memory_space<vmem>>, vector<16xf32>,
    %get3A_96 = vector.shape_cast %get3A_95 : vector<16xf32> to vector<16xf32>
    %convert_element_type3A_97 = arith.fptosi %get3A_96 : vector<16xf32> to vector<16xi32>
    %mul3A_98 = arith.constant 33 : i32
    %mul3A_99 = vector.broadcast %mul3A_98 : i32 to vector<16xi32>
    %mul3A_100 = arith.muli %convert_element_type3A_93, %mul3A_99 : vector<16xi32>
    %add3A_101 = arith.addi %mul3A_100, %convert_element_type3A_97 : vector<16xi32>
    %swap3A_102 = arith.constant 0 : i32
    %swap3A_103 = arith.index_cast %swap3A_102 : i32 to index
    %swap3A_104 = arith.constant 80 : index
    %swap3A_105 = tpu.vector_load %arg8[%swap3A_103, %swap3A_104] {strides = array<i32>} : memref<4x128xi32, #tpu.memory_space<vmem>>, vector<1x16xi32>,
    %swap3A_106 = vector.shape_cast %swap3A_105 : vector<1x16xi32> to vector<16xi32>
    %swap3A_107 = vector.shape_cast %add3A_101 : vector<16xi32> to vector<1x16xi32>
    tpu.vector_store %arg8[%swap3A_103, %swap3A_104], %swap3A_107 {strides = array<i32>} : memref<4x128xi32, #tpu.memory_space<vmem>>, vector<1x16xi32>,
    %get3A_108 = arith.constant 96 : index
    %get3A_109 = tpu.vector_load %arg6[%get3A_108] {strides = array<i32>} : memref<512xf32, #tpu.memory_space<vmem>>, vector<16xf32>,
    %get3A_110 = vector.shape_cast %get3A_109 : vector<16xf32> to vector<16xf32>
    %convert_element_type3A_111 = arith.fptosi %get3A_110 : vector<16xf32> to vector<16xi32>
    %get3A_112 = arith.constant 96 : index
    %get3A_113 = tpu.vector_load %arg7[%get3A_112] {strides = array<i32>} : memref<512xf32, #tpu.memory_space<vmem>>, vector<16xf32>,
    %get3A_114 = vector.shape_cast %get3A_113 : vector<16xf32> to vector<16xf32>
    %convert_element_type3A_115 = arith.fptosi %get3A_114 : vector<16xf32> to vector<16xi32>
    %mul3A_116 = arith.constant 33 : i32
    %mul3A_117 = vector.broadcast %mul3A_116 : i32 to vector<16xi32>
    %mul3A_118 = arith.muli %convert_element_type3A_111, %mul3A_117 : vector<16xi32>
    %add3A_119 = arith.addi %mul3A_118, %convert_element_type3A_115 : vector<16xi32>
    %swap3A_120 = arith.constant 0 : i32
    %swap3A_121 = arith.index_cast %swap3A_120 : i32 to index
    %swap3A_122 = arith.constant 96 : index
    %swap3A_123 = tpu.vector_load %arg8[%swap3A_121, %swap3A_122] {strides = array<i32>} : memref<4x128xi32, #tpu.memory_space<vmem>>, vector<1x16xi32>,
    %swap3A_124 = vector.shape_cast %swap3A_123 : vector<1x16xi32> to vector<16xi32>
    %swap3A_125 = vector.shape_cast %add3A_119 : vector<16xi32> to vector<1x16xi32>
    tpu.vector_store %arg8[%swap3A_121, %swap3A_122], %swap3A_125 {strides = array<i32>} : memref<4x128xi32, #tpu.memory_space<vmem>>, vector<1x16xi32>,
    %get3A_126 = arith.constant 112 : index
    %get3A_127 = tpu.vector_load %arg6[%get3A_126] {strides = array<i32>} : memref<512xf32, #tpu.memory_space<vmem>>, vector<16xf32>,
    %get3A_128 = vector.shape_cast %get3A_127 : vector<16xf32> to vector<16xf32>
    %convert_element_type3A_129 = arith.fptosi %get3A_128 : vector<16xf32> to vector<16xi32>
    %get3A_130 = arith.constant 112 : index
    %get3A_131 = tpu.vector_load %arg7[%get3A_130] {strides = array<i32>} : memref<512xf32, #tpu.memory_space<vmem>>, vector<16xf32>,
    %get3A_132 = vector.shape_cast %get3A_131 : vector<16xf32> to vector<16xf32>
    %convert_element_type3A_133 = arith.fptosi %get3A_132 : vector<16xf32> to vector<16xi32>
    %mul3A_134 = arith.constant 33 : i32
    %mul3A_135 = vector.broadcast %mul3A_134 : i32 to vector<16xi32>
    %mul3A_136 = arith.muli %convert_element_type3A_129, %mul3A_135 : vector<16xi32>
    %add3A_137 = arith.addi %mul3A_136, %convert_element_type3A_133 : vector<16xi32>
    %swap3A_138 = arith.constant 0 : i32
    %swap3A_139 = arith.index_cast %swap3A_138 : i32 to index
    %swap3A_140 = arith.constant 112 : index
    %swap3A_141 = tpu.vector_load %arg8[%swap3A_139, %swap3A_140] {strides = array<i32>} : memref<4x128xi32, #tpu.memory_space<vmem>>, vector<1x16xi32>,
    %swap3A_142 = vector.shape_cast %swap3A_141 : vector<1x16xi32> to vector<16xi32>
    %swap3A_143 = vector.shape_cast %add3A_137 : vector<16xi32> to vector<1x16xi32>
    tpu.vector_store %arg8[%swap3A_139, %swap3A_140], %swap3A_143 {strides = array<i32>} : memref<4x128xi32, #tpu.memory_space<vmem>>, vector<1x16xi32>,
    %get3A_144 = arith.constant 128 : index
    %get3A_145 = tpu.vector_load %arg6[%get3A_144] {strides = array<i32>} : memref<512xf32, #tpu.memory_space<vmem>>, vector<16xf32>,
    %get3A_146 = vector.shape_cast %get3A_145 : vector<16xf32> to vector<16xf32>
    %convert_element_type3A_147 = arith.fptosi %get3A_146 : vector<16xf32> to vector<16xi32>
    %get3A_148 = arith.constant 128 : index
    %get3A_149 = tpu.vector_load %arg7[%get3A_148] {strides = array<i32>} : memref<512xf32, #tpu.memory_space<vmem>>, vector<16xf32>,
    %get3A_150 = vector.shape_cast %get3A_149 : vector<16xf32> to vector<16xf32>
    %convert_element_type3A_151 = arith.fptosi %get3A_150 : vector<16xf32> to vector<16xi32>
    %mul3A_152 = arith.constant 33 : i32
    %mul3A_153 = vector.broadcast %mul3A_152 : i32 to vector<16xi32>
    %mul3A_154 = arith.muli %convert_element_type3A_147, %mul3A_153 : vector<16xi32>
    %add3A_155 = arith.addi %mul3A_154, %convert_element_type3A_151 : vector<16xi32>
    %swap3A_156 = arith.constant 1 : i32
    %swap3A_157 = arith.index_cast %swap3A_156 : i32 to index
    %swap3A_158 = arith.constant 0 : index
    %swap3A_159 = tpu.vector_load %arg8[%swap3A_157, %swap3A_158] {strides = array<i32>} : memref<4x128xi32, #tpu.memory_space<vmem>>, vector<1x16xi32>,
    %swap3A_160 = vector.shape_cast %swap3A_159 : vector<1x16xi32> to vector<16xi32>
    %swap3A_161 = vector.shape_cast %add3A_155 : vector<16xi32> to vector<1x16xi32>
    tpu.vector_store %arg8[%swap3A_157, %swap3A_158], %swap3A_161 {strides = array<i32>} : memref<4x128xi32, #tpu.memory_space<vmem>>, vector<1x16xi32>,
    %get3A_162 = arith.constant 144 : index
    %get3A_163 = tpu.vector_load %arg6[%get3A_162] {strides = array<i32>} : memref<512xf32, #tpu.memory_space<vmem>>, vector<16xf32>,
    %get3A_164 = vector.shape_cast %get3A_163 : vector<16xf32> to vector<16xf32>
    %convert_element_type3A_165 = arith.fptosi %get3A_164 : vector<16xf32> to vector<16xi32>
    %get3A_166 = arith.constant 144 : index
    %get3A_167 = tpu.vector_load %arg7[%get3A_166] {strides = array<i32>} : memref<512xf32, #tpu.memory_space<vmem>>, vector<16xf32>,
    %get3A_168 = vector.shape_cast %get3A_167 : vector<16xf32> to vector<16xf32>
    %convert_element_type3A_169 = arith.fptosi %get3A_168 : vector<16xf32> to vector<16xi32>
    %mul3A_170 = arith.constant 33 : i32
    %mul3A_171 = vector.broadcast %mul3A_170 : i32 to vector<16xi32>
    %mul3A_172 = arith.muli %convert_element_type3A_165, %mul3A_171 : vector<16xi32>
    %add3A_173 = arith.addi %mul3A_172, %convert_element_type3A_169 : vector<16xi32>
    %swap3A_174 = arith.constant 1 : i32
    %swap3A_175 = arith.index_cast %swap3A_174 : i32 to index
    %swap3A_176 = arith.constant 16 : index
    %swap3A_177 = tpu.vector_load %arg8[%swap3A_175, %swap3A_176] {strides = array<i32>} : memref<4x128xi32, #tpu.memory_space<vmem>>, vector<1x16xi32>,
    %swap3A_178 = vector.shape_cast %swap3A_177 : vector<1x16xi32> to vector<16xi32>
    %swap3A_179 = vector.shape_cast %add3A_173 : vector<16xi32> to vector<1x16xi32>
    tpu.vector_store %arg8[%swap3A_175, %swap3A_176], %swap3A_179 {strides = array<i32>} : memref<4x128xi32, #tpu.memory_space<vmem>>, vector<1x16xi32>,
    %get3A_180 = arith.constant 160 : index
    %get3A_181 = tpu.vector_load %arg6[%get3A_180] {strides = array<i32>} : memref<512xf32, #tpu.memory_space<vmem>>, vector<16xf32>,
    %get3A_182 = vector.shape_cast %get3A_181 : vector<16xf32> to vector<16xf32>
    %convert_element_type3A_183 = arith.fptosi %get3A_182 : vector<16xf32> to vector<16xi32>
    %get3A_184 = arith.constant 160 : index
    %get3A_185 = tpu.vector_load %arg7[%get3A_184] {strides = array<i32>} : memref<512xf32, #tpu.memory_space<vmem>>, vector<16xf32>,
    %get3A_186 = vector.shape_cast %get3A_185 : vector<16xf32> to vector<16xf32>
    %convert_element_type3A_187 = arith.fptosi %get3A_186 : vector<16xf32> to vector<16xi32>
    %mul3A_188 = arith.constant 33 : i32
    %mul3A_189 = vector.broadcast %mul3A_188 : i32 to vector<16xi32>
    %mul3A_190 = arith.muli %convert_element_type3A_183, %mul3A_189 : vector<16xi32>
    %add3A_191 = arith.addi %mul3A_190, %convert_element_type3A_187 : vector<16xi32>
    %swap3A_192 = arith.constant 1 : i32
    %swap3A_193 = arith.index_cast %swap3A_192 : i32 to index
    %swap3A_194 = arith.constant 32 : index
    %swap3A_195 = tpu.vector_load %arg8[%swap3A_193, %swap3A_194] {strides = array<i32>} : memref<4x128xi32, #tpu.memory_space<vmem>>, vector<1x16xi32>,
    %swap3A_196 = vector.shape_cast %swap3A_195 : vector<1x16xi32> to vector<16xi32>
    %swap3A_197 = vector.shape_cast %add3A_191 : vector<16xi32> to vector<1x16xi32>
    tpu.vector_store %arg8[%swap3A_193, %swap3A_194], %swap3A_197 {strides = array<i32>} : memref<4x128xi32, #tpu.memory_space<vmem>>, vector<1x16xi32>,
    %get3A_198 = arith.constant 176 : index
    %get3A_199 = tpu.vector_load %arg6[%get3A_198] {strides = array<i32>} : memref<512xf32, #tpu.memory_space<vmem>>, vector<16xf32>,
    %get3A_200 = vector.shape_cast %get3A_199 : vector<16xf32> to vector<16xf32>
    %convert_element_type3A_201 = arith.fptosi %get3A_200 : vector<16xf32> to vector<16xi32>
    %get3A_202 = arith.constant 176 : index
    %get3A_203 = tpu.vector_load %arg7[%get3A_202] {strides = array<i32>} : memref<512xf32, #tpu.memory_space<vmem>>, vector<16xf32>,
    %get3A_204 = vector.shape_cast %get3A_203 : vector<16xf32> to vector<16xf32>
    %convert_element_type3A_205 = arith.fptosi %get3A_204 : vector<16xf32> to vector<16xi32>
    %mul3A_206 = arith.constant 33 : i32
    %mul3A_207 = vector.broadcast %mul3A_206 : i32 to vector<16xi32>
    %mul3A_208 = arith.muli %convert_element_type3A_201, %mul3A_207 : vector<16xi32>
    %add3A_209 = arith.addi %mul3A_208, %convert_element_type3A_205 : vector<16xi32>
    %swap3A_210 = arith.constant 1 : i32
    %swap3A_211 = arith.index_cast %swap3A_210 : i32 to index
    %swap3A_212 = arith.constant 48 : index
    %swap3A_213 = tpu.vector_load %arg8[%swap3A_211, %swap3A_212] {strides = array<i32>} : memref<4x128xi32, #tpu.memory_space<vmem>>, vector<1x16xi32>,
    %swap3A_214 = vector.shape_cast %swap3A_213 : vector<1x16xi32> to vector<16xi32>
    %swap3A_215 = vector.shape_cast %add3A_209 : vector<16xi32> to vector<1x16xi32>
    tpu.vector_store %arg8[%swap3A_211, %swap3A_212], %swap3A_215 {strides = array<i32>} : memref<4x128xi32, #tpu.memory_space<vmem>>, vector<1x16xi32>,
    %get3A_216 = arith.constant 192 : index
    %get3A_217 = tpu.vector_load %arg6[%get3A_216] {strides = array<i32>} : memref<512xf32, #tpu.memory_space<vmem>>, vector<16xf32>,
    %get3A_218 = vector.shape_cast %get3A_217 : vector<16xf32> to vector<16xf32>
    %convert_element_type3A_219 = arith.fptosi %get3A_218 : vector<16xf32> to vector<16xi32>
    %get3A_220 = arith.constant 192 : index
    %get3A_221 = tpu.vector_load %arg7[%get3A_220] {strides = array<i32>} : memref<512xf32, #tpu.memory_space<vmem>>, vector<16xf32>,
    %get3A_222 = vector.shape_cast %get3A_221 : vector<16xf32> to vector<16xf32>
    %convert_element_type3A_223 = arith.fptosi %get3A_222 : vector<16xf32> to vector<16xi32>
    %mul3A_224 = arith.constant 33 : i32
    %mul3A_225 = vector.broadcast %mul3A_224 : i32 to vector<16xi32>
    %mul3A_226 = arith.muli %convert_element_type3A_219, %mul3A_225 : vector<16xi32>
    %add3A_227 = arith.addi %mul3A_226, %convert_element_type3A_223 : vector<16xi32>
    %swap3A_228 = arith.constant 1 : i32
    %swap3A_229 = arith.index_cast %swap3A_228 : i32 to index
    %swap3A_230 = arith.constant 64 : index
    %swap3A_231 = tpu.vector_load %arg8[%swap3A_229, %swap3A_230] {strides = array<i32>} : memref<4x128xi32, #tpu.memory_space<vmem>>, vector<1x16xi32>,
    %swap3A_232 = vector.shape_cast %swap3A_231 : vector<1x16xi32> to vector<16xi32>
    %swap3A_233 = vector.shape_cast %add3A_227 : vector<16xi32> to vector<1x16xi32>
    tpu.vector_store %arg8[%swap3A_229, %swap3A_230], %swap3A_233 {strides = array<i32>} : memref<4x128xi32, #tpu.memory_space<vmem>>, vector<1x16xi32>,
    %get3A_234 = arith.constant 208 : index
    %get3A_235 = tpu.vector_load %arg6[%get3A_234] {strides = array<i32>} : memref<512xf32, #tpu.memory_space<vmem>>, vector<16xf32>,
    %get3A_236 = vector.shape_cast %get3A_235 : vector<16xf32> to vector<16xf32>
    %convert_element_type3A_237 = arith.fptosi %get3A_236 : vector<16xf32> to vector<16xi32>
    %get3A_238 = arith.constant 208 : index
    %get3A_239 = tpu.vector_load %arg7[%get3A_238] {strides = array<i32>} : memref<512xf32, #tpu.memory_space<vmem>>, vector<16xf32>,
    %get3A_240 = vector.shape_cast %get3A_239 : vector<16xf32> to vector<16xf32>
    %convert_element_type3A_241 = arith.fptosi %get3A_240 : vector<16xf32> to vector<16xi32>
    %mul3A_242 = arith.constant 33 : i32
    %mul3A_243 = vector.broadcast %mul3A_242 : i32 to vector<16xi32>
    %mul3A_244 = arith.muli %convert_element_type3A_237, %mul3A_243 : vector<16xi32>
    %add3A_245 = arith.addi %mul3A_244, %convert_element_type3A_241 : vector<16xi32>
    %swap3A_246 = arith.constant 1 : i32
    %swap3A_247 = arith.index_cast %swap3A_246 : i32 to index
    %swap3A_248 = arith.constant 80 : index
    %swap3A_249 = tpu.vector_load %arg8[%swap3A_247, %swap3A_248] {strides = array<i32>} : memref<4x128xi32, #tpu.memory_space<vmem>>, vector<1x16xi32>,
    %swap3A_250 = vector.shape_cast %swap3A_249 : vector<1x16xi32> to vector<16xi32>
    %swap3A_251 = vector.shape_cast %add3A_245 : vector<16xi32> to vector<1x16xi32>
    tpu.vector_store %arg8[%swap3A_247, %swap3A_248], %swap3A_251 {strides = array<i32>} : memref<4x128xi32, #tpu.memory_space<vmem>>, vector<1x16xi32>,
    %get3A_252 = arith.constant 224 : index
    %get3A_253 = tpu.vector_load %arg6[%get3A_252] {strides = array<i32>} : memref<512xf32, #tpu.memory_space<vmem>>, vector<16xf32>,
    %get3A_254 = vector.shape_cast %get3A_253 : vector<16xf32> to vector<16xf32>
    %convert_element_type3A_255 = arith.fptosi %get3A_254 : vector<16xf32> to vector<16xi32>
    %get3A_256 = arith.constant 224 : index
    %get3A_257 = tpu.vector_load %arg7[%get3A_256] {strides = array<i32>} : memref<512xf32, #tpu.memory_space<vmem>>, vector<16xf32>,
    %get3A_258 = vector.shape_cast %get3A_257 : vector<16xf32> to vector<16xf32>
    %convert_element_type3A_259 = arith.fptosi %get3A_258 : vector<16xf32> to vector<16xi32>
    %mul3A_260 = arith.constant 33 : i32
    %mul3A_261 = vector.broadcast %mul3A_260 : i32 to vector<16xi32>
    %mul3A_262 = arith.muli %convert_element_type3A_255, %mul3A_261 : vector<16xi32>
    %add3A_263 = arith.addi %mul3A_262, %convert_element_type3A_259 : vector<16xi32>
    %swap3A_264 = arith.constant 1 : i32
    %swap3A_265 = arith.index_cast %swap3A_264 : i32 to index
    %swap3A_266 = arith.constant 96 : index
    %swap3A_267 = tpu.vector_load %arg8[%swap3A_265, %swap3A_266] {strides = array<i32>} : memref<4x128xi32, #tpu.memory_space<vmem>>, vector<1x16xi32>,
    %swap3A_268 = vector.shape_cast %swap3A_267 : vector<1x16xi32> to vector<16xi32>
    %swap3A_269 = vector.shape_cast %add3A_263 : vector<16xi32> to vector<1x16xi32>
    tpu.vector_store %arg8[%swap3A_265, %swap3A_266], %swap3A_269 {strides = array<i32>} : memref<4x128xi32, #tpu.memory_space<vmem>>, vector<1x16xi32>,
    %get3A_270 = arith.constant 240 : index
    %get3A_271 = tpu.vector_load %arg6[%get3A_270] {strides = array<i32>} : memref<512xf32, #tpu.memory_space<vmem>>, vector<16xf32>,
    %get3A_272 = vector.shape_cast %get3A_271 : vector<16xf32> to vector<16xf32>
    %convert_element_type3A_273 = arith.fptosi %get3A_272 : vector<16xf32> to vector<16xi32>
    %get3A_274 = arith.constant 240 : index
    %get3A_275 = tpu.vector_load %arg7[%get3A_274] {strides = array<i32>} : memref<512xf32, #tpu.memory_space<vmem>>, vector<16xf32>,
    %get3A_276 = vector.shape_cast %get3A_275 : vector<16xf32> to vector<16xf32>
    %convert_element_type3A_277 = arith.fptosi %get3A_276 : vector<16xf32> to vector<16xi32>
    %mul3A_278 = arith.constant 33 : i32
    %mul3A_279 = vector.broadcast %mul3A_278 : i32 to vector<16xi32>
    %mul3A_280 = arith.muli %convert_element_type3A_273, %mul3A_279 : vector<16xi32>
    %add3A_281 = arith.addi %mul3A_280, %convert_element_type3A_277 : vector<16xi32>
    %swap3A_282 = arith.constant 1 : i32
    %swap3A_283 = arith.index_cast %swap3A_282 : i32 to index
    %swap3A_284 = arith.constant 112 : index
    %swap3A_285 = tpu.vector_load %arg8[%swap3A_283, %swap3A_284] {strides = array<i32>} : memref<4x128xi32, #tpu.memory_space<vmem>>, vector<1x16xi32>,
    %swap3A_286 = vector.shape_cast %swap3A_285 : vector<1x16xi32> to vector<16xi32>
    %swap3A_287 = vector.shape_cast %add3A_281 : vector<16xi32> to vector<1x16xi32>
    tpu.vector_store %arg8[%swap3A_283, %swap3A_284], %swap3A_287 {strides = array<i32>} : memref<4x128xi32, #tpu.memory_space<vmem>>, vector<1x16xi32>,
    %get3A_288 = arith.constant 256 : index
    %get3A_289 = tpu.vector_load %arg6[%get3A_288] {strides = array<i32>} : memref<512xf32, #tpu.memory_space<vmem>>, vector<16xf32>,
    %get3A_290 = vector.shape_cast %get3A_289 : vector<16xf32> to vector<16xf32>
    %convert_element_type3A_291 = arith.fptosi %get3A_290 : vector<16xf32> to vector<16xi32>
    %get3A_292 = arith.constant 256 : index
    %get3A_293 = tpu.vector_load %arg7[%get3A_292] {strides = array<i32>} : memref<512xf32, #tpu.memory_space<vmem>>, vector<16xf32>,
    %get3A_294 = vector.shape_cast %get3A_293 : vector<16xf32> to vector<16xf32>
    %convert_element_type3A_295 = arith.fptosi %get3A_294 : vector<16xf32> to vector<16xi32>
    %mul3A_296 = arith.constant 33 : i32
    %mul3A_297 = vector.broadcast %mul3A_296 : i32 to vector<16xi32>
    %mul3A_298 = arith.muli %convert_element_type3A_291, %mul3A_297 : vector<16xi32>
    %add3A_299 = arith.addi %mul3A_298, %convert_element_type3A_295 : vector<16xi32>
    %swap3A_300 = arith.constant 2 : i32
    %swap3A_301 = arith.index_cast %swap3A_300 : i32 to index
    %swap3A_302 = arith.constant 0 : index
    %swap3A_303 = tpu.vector_load %arg8[%swap3A_301, %swap3A_302] {strides = array<i32>} : memref<4x128xi32, #tpu.memory_space<vmem>>, vector<1x16xi32>,
    %swap3A_304 = vector.shape_cast %swap3A_303 : vector<1x16xi32> to vector<16xi32>
    %swap3A_305 = vector.shape_cast %add3A_299 : vector<16xi32> to vector<1x16xi32>
    tpu.vector_store %arg8[%swap3A_301, %swap3A_302], %swap3A_305 {strides = array<i32>} : memref<4x128xi32, #tpu.memory_space<vmem>>, vector<1x16xi32>,
    %get3A_306 = arith.constant 272 : index
    %get3A_307 = tpu.vector_load %arg6[%get3A_306] {strides = array<i32>} : memref<512xf32, #tpu.memory_space<vmem>>, vector<16xf32>,
    %get3A_308 = vector.shape_cast %get3A_307 : vector<16xf32> to vector<16xf32>
    %convert_element_type3A_309 = arith.fptosi %get3A_308 : vector<16xf32> to vector<16xi32>
    %get3A_310 = arith.constant 272 : index
    %get3A_311 = tpu.vector_load %arg7[%get3A_310] {strides = array<i32>} : memref<512xf32, #tpu.memory_space<vmem>>, vector<16xf32>,
    %get3A_312 = vector.shape_cast %get3A_311 : vector<16xf32> to vector<16xf32>
    %convert_element_type3A_313 = arith.fptosi %get3A_312 : vector<16xf32> to vector<16xi32>
    %mul3A_314 = arith.constant 33 : i32
    %mul3A_315 = vector.broadcast %mul3A_314 : i32 to vector<16xi32>
    %mul3A_316 = arith.muli %convert_element_type3A_309, %mul3A_315 : vector<16xi32>
    %add3A_317 = arith.addi %mul3A_316, %convert_element_type3A_313 : vector<16xi32>
    %swap3A_318 = arith.constant 2 : i32
    %swap3A_319 = arith.index_cast %swap3A_318 : i32 to index
    %swap3A_320 = arith.constant 16 : index
    %swap3A_321 = tpu.vector_load %arg8[%swap3A_319, %swap3A_320] {strides = array<i32>} : memref<4x128xi32, #tpu.memory_space<vmem>>, vector<1x16xi32>,
    %swap3A_322 = vector.shape_cast %swap3A_321 : vector<1x16xi32> to vector<16xi32>
    %swap3A_323 = vector.shape_cast %add3A_317 : vector<16xi32> to vector<1x16xi32>
    tpu.vector_store %arg8[%swap3A_319, %swap3A_320], %swap3A_323 {strides = array<i32>} : memref<4x128xi32, #tpu.memory_space<vmem>>, vector<1x16xi32>,
    %get3A_324 = arith.constant 288 : index
    %get3A_325 = tpu.vector_load %arg6[%get3A_324] {strides = array<i32>} : memref<512xf32, #tpu.memory_space<vmem>>, vector<16xf32>,
    %get3A_326 = vector.shape_cast %get3A_325 : vector<16xf32> to vector<16xf32>
    %convert_element_type3A_327 = arith.fptosi %get3A_326 : vector<16xf32> to vector<16xi32>
    %get3A_328 = arith.constant 288 : index
    %get3A_329 = tpu.vector_load %arg7[%get3A_328] {strides = array<i32>} : memref<512xf32, #tpu.memory_space<vmem>>, vector<16xf32>,
    %get3A_330 = vector.shape_cast %get3A_329 : vector<16xf32> to vector<16xf32>
    %convert_element_type3A_331 = arith.fptosi %get3A_330 : vector<16xf32> to vector<16xi32>
    %mul3A_332 = arith.constant 33 : i32
    %mul3A_333 = vector.broadcast %mul3A_332 : i32 to vector<16xi32>
    %mul3A_334 = arith.muli %convert_element_type3A_327, %mul3A_333 : vector<16xi32>
    %add3A_335 = arith.addi %mul3A_334, %convert_element_type3A_331 : vector<16xi32>
    %swap3A_336 = arith.constant 2 : i32
    %swap3A_337 = arith.index_cast %swap3A_336 : i32 to index
    %swap3A_338 = arith.constant 32 : index
    %swap3A_339 = tpu.vector_load %arg8[%swap3A_337, %swap3A_338] {strides = array<i32>} : memref<4x128xi32, #tpu.memory_space<vmem>>, vector<1x16xi32>,
    %swap3A_340 = vector.shape_cast %swap3A_339 : vector<1x16xi32> to vector<16xi32>
    %swap3A_341 = vector.shape_cast %add3A_335 : vector<16xi32> to vector<1x16xi32>
    tpu.vector_store %arg8[%swap3A_337, %swap3A_338], %swap3A_341 {strides = array<i32>} : memref<4x128xi32, #tpu.memory_space<vmem>>, vector<1x16xi32>,
    %get3A_342 = arith.constant 304 : index
    %get3A_343 = tpu.vector_load %arg6[%get3A_342] {strides = array<i32>} : memref<512xf32, #tpu.memory_space<vmem>>, vector<16xf32>,
    %get3A_344 = vector.shape_cast %get3A_343 : vector<16xf32> to vector<16xf32>
    %convert_element_type3A_345 = arith.fptosi %get3A_344 : vector<16xf32> to vector<16xi32>
    %get3A_346 = arith.constant 304 : index
    %get3A_347 = tpu.vector_load %arg7[%get3A_346] {strides = array<i32>} : memref<512xf32, #tpu.memory_space<vmem>>, vector<16xf32>,
    %get3A_348 = vector.shape_cast %get3A_347 : vector<16xf32> to vector<16xf32>
    %convert_element_type3A_349 = arith.fptosi %get3A_348 : vector<16xf32> to vector<16xi32>
    %mul3A_350 = arith.constant 33 : i32
    %mul3A_351 = vector.broadcast %mul3A_350 : i32 to vector<16xi32>
    %mul3A_352 = arith.muli %convert_element_type3A_345, %mul3A_351 : vector<16xi32>
    %add3A_353 = arith.addi %mul3A_352, %convert_element_type3A_349 : vector<16xi32>
    %swap3A_354 = arith.constant 2 : i32
    %swap3A_355 = arith.index_cast %swap3A_354 : i32 to index
    %swap3A_356 = arith.constant 48 : index
    %swap3A_357 = tpu.vector_load %arg8[%swap3A_355, %swap3A_356] {strides = array<i32>} : memref<4x128xi32, #tpu.memory_space<vmem>>, vector<1x16xi32>,
    %swap3A_358 = vector.shape_cast %swap3A_357 : vector<1x16xi32> to vector<16xi32>
    %swap3A_359 = vector.shape_cast %add3A_353 : vector<16xi32> to vector<1x16xi32>
    tpu.vector_store %arg8[%swap3A_355, %swap3A_356], %swap3A_359 {strides = array<i32>} : memref<4x128xi32, #tpu.memory_space<vmem>>, vector<1x16xi32>,
    %get3A_360 = arith.constant 320 : index
    %get3A_361 = tpu.vector_load %arg6[%get3A_360] {strides = array<i32>} : memref<512xf32, #tpu.memory_space<vmem>>, vector<16xf32>,
    %get3A_362 = vector.shape_cast %get3A_361 : vector<16xf32> to vector<16xf32>
    %convert_element_type3A_363 = arith.fptosi %get3A_362 : vector<16xf32> to vector<16xi32>
    %get3A_364 = arith.constant 320 : index
    %get3A_365 = tpu.vector_load %arg7[%get3A_364] {strides = array<i32>} : memref<512xf32, #tpu.memory_space<vmem>>, vector<16xf32>,
    %get3A_366 = vector.shape_cast %get3A_365 : vector<16xf32> to vector<16xf32>
    %convert_element_type3A_367 = arith.fptosi %get3A_366 : vector<16xf32> to vector<16xi32>
    %mul3A_368 = arith.constant 33 : i32
    %mul3A_369 = vector.broadcast %mul3A_368 : i32 to vector<16xi32>
    %mul3A_370 = arith.muli %convert_element_type3A_363, %mul3A_369 : vector<16xi32>
    %add3A_371 = arith.addi %mul3A_370, %convert_element_type3A_367 : vector<16xi32>
    %swap3A_372 = arith.constant 2 : i32
    %swap3A_373 = arith.index_cast %swap3A_372 : i32 to index
    %swap3A_374 = arith.constant 64 : index
    %swap3A_375 = tpu.vector_load %arg8[%swap3A_373, %swap3A_374] {strides = array<i32>} : memref<4x128xi32, #tpu.memory_space<vmem>>, vector<1x16xi32>,
    %swap3A_376 = vector.shape_cast %swap3A_375 : vector<1x16xi32> to vector<16xi32>
    %swap3A_377 = vector.shape_cast %add3A_371 : vector<16xi32> to vector<1x16xi32>
    tpu.vector_store %arg8[%swap3A_373, %swap3A_374], %swap3A_377 {strides = array<i32>} : memref<4x128xi32, #tpu.memory_space<vmem>>, vector<1x16xi32>,
    %get3A_378 = arith.constant 336 : index
    %get3A_379 = tpu.vector_load %arg6[%get3A_378] {strides = array<i32>} : memref<512xf32, #tpu.memory_space<vmem>>, vector<16xf32>,
    %get3A_380 = vector.shape_cast %get3A_379 : vector<16xf32> to vector<16xf32>
    %convert_element_type3A_381 = arith.fptosi %get3A_380 : vector<16xf32> to vector<16xi32>
    %get3A_382 = arith.constant 336 : index
    %get3A_383 = tpu.vector_load %arg7[%get3A_382] {strides = array<i32>} : memref<512xf32, #tpu.memory_space<vmem>>, vector<16xf32>,
    %get3A_384 = vector.shape_cast %get3A_383 : vector<16xf32> to vector<16xf32>
    %convert_element_type3A_385 = arith.fptosi %get3A_384 : vector<16xf32> to vector<16xi32>
    %mul3A_386 = arith.constant 33 : i32
    %mul3A_387 = vector.broadcast %mul3A_386 : i32 to vector<16xi32>
    %mul3A_388 = arith.muli %convert_element_type3A_381, %mul3A_387 : vector<16xi32>
    %add3A_389 = arith.addi %mul3A_388, %convert_element_type3A_385 : vector<16xi32>
    %swap3A_390 = arith.constant 2 : i32
    %swap3A_391 = arith.index_cast %swap3A_390 : i32 to index
    %swap3A_392 = arith.constant 80 : index
    %swap3A_393 = tpu.vector_load %arg8[%swap3A_391, %swap3A_392] {strides = array<i32>} : memref<4x128xi32, #tpu.memory_space<vmem>>, vector<1x16xi32>,
    %swap3A_394 = vector.shape_cast %swap3A_393 : vector<1x16xi32> to vector<16xi32>
    %swap3A_395 = vector.shape_cast %add3A_389 : vector<16xi32> to vector<1x16xi32>
    tpu.vector_store %arg8[%swap3A_391, %swap3A_392], %swap3A_395 {strides = array<i32>} : memref<4x128xi32, #tpu.memory_space<vmem>>, vector<1x16xi32>,
    %get3A_396 = arith.constant 352 : index
    %get3A_397 = tpu.vector_load %arg6[%get3A_396] {strides = array<i32>} : memref<512xf32, #tpu.memory_space<vmem>>, vector<16xf32>,
    %get3A_398 = vector.shape_cast %get3A_397 : vector<16xf32> to vector<16xf32>
    %convert_element_type3A_399 = arith.fptosi %get3A_398 : vector<16xf32> to vector<16xi32>
    %get3A_400 = arith.constant 352 : index
    %get3A_401 = tpu.vector_load %arg7[%get3A_400] {strides = array<i32>} : memref<512xf32, #tpu.memory_space<vmem>>, vector<16xf32>,
    %get3A_402 = vector.shape_cast %get3A_401 : vector<16xf32> to vector<16xf32>
    %convert_element_type3A_403 = arith.fptosi %get3A_402 : vector<16xf32> to vector<16xi32>
    %mul3A_404 = arith.constant 33 : i32
    %mul3A_405 = vector.broadcast %mul3A_404 : i32 to vector<16xi32>
    %mul3A_406 = arith.muli %convert_element_type3A_399, %mul3A_405 : vector<16xi32>
    %add3A_407 = arith.addi %mul3A_406, %convert_element_type3A_403 : vector<16xi32>
    %swap3A_408 = arith.constant 2 : i32
    %swap3A_409 = arith.index_cast %swap3A_408 : i32 to index
    %swap3A_410 = arith.constant 96 : index
    %swap3A_411 = tpu.vector_load %arg8[%swap3A_409, %swap3A_410] {strides = array<i32>} : memref<4x128xi32, #tpu.memory_space<vmem>>, vector<1x16xi32>,
    %swap3A_412 = vector.shape_cast %swap3A_411 : vector<1x16xi32> to vector<16xi32>
    %swap3A_413 = vector.shape_cast %add3A_407 : vector<16xi32> to vector<1x16xi32>
    tpu.vector_store %arg8[%swap3A_409, %swap3A_410], %swap3A_413 {strides = array<i32>} : memref<4x128xi32, #tpu.memory_space<vmem>>, vector<1x16xi32>,
    %get3A_414 = arith.constant 368 : index
    %get3A_415 = tpu.vector_load %arg6[%get3A_414] {strides = array<i32>} : memref<512xf32, #tpu.memory_space<vmem>>, vector<16xf32>,
    %get3A_416 = vector.shape_cast %get3A_415 : vector<16xf32> to vector<16xf32>
    %convert_element_type3A_417 = arith.fptosi %get3A_416 : vector<16xf32> to vector<16xi32>
    %get3A_418 = arith.constant 368 : index
    %get3A_419 = tpu.vector_load %arg7[%get3A_418] {strides = array<i32>} : memref<512xf32, #tpu.memory_space<vmem>>, vector<16xf32>,
    %get3A_420 = vector.shape_cast %get3A_419 : vector<16xf32> to vector<16xf32>
    %convert_element_type3A_421 = arith.fptosi %get3A_420 : vector<16xf32> to vector<16xi32>
    %mul3A_422 = arith.constant 33 : i32
    %mul3A_423 = vector.broadcast %mul3A_422 : i32 to vector<16xi32>
    %mul3A_424 = arith.muli %convert_element_type3A_417, %mul3A_423 : vector<16xi32>
    %add3A_425 = arith.addi %mul3A_424, %convert_element_type3A_421 : vector<16xi32>
    %swap3A_426 = arith.constant 2 : i32
    %swap3A_427 = arith.index_cast %swap3A_426 : i32 to index
    %swap3A_428 = arith.constant 112 : index
    %swap3A_429 = tpu.vector_load %arg8[%swap3A_427, %swap3A_428] {strides = array<i32>} : memref<4x128xi32, #tpu.memory_space<vmem>>, vector<1x16xi32>,
    %swap3A_430 = vector.shape_cast %swap3A_429 : vector<1x16xi32> to vector<16xi32>
    %swap3A_431 = vector.shape_cast %add3A_425 : vector<16xi32> to vector<1x16xi32>
    tpu.vector_store %arg8[%swap3A_427, %swap3A_428], %swap3A_431 {strides = array<i32>} : memref<4x128xi32, #tpu.memory_space<vmem>>, vector<1x16xi32>,
    %get3A_432 = arith.constant 384 : index
    %get3A_433 = tpu.vector_load %arg6[%get3A_432] {strides = array<i32>} : memref<512xf32, #tpu.memory_space<vmem>>, vector<16xf32>,
    %get3A_434 = vector.shape_cast %get3A_433 : vector<16xf32> to vector<16xf32>
    %convert_element_type3A_435 = arith.fptosi %get3A_434 : vector<16xf32> to vector<16xi32>
    %get3A_436 = arith.constant 384 : index
    %get3A_437 = tpu.vector_load %arg7[%get3A_436] {strides = array<i32>} : memref<512xf32, #tpu.memory_space<vmem>>, vector<16xf32>,
    %get3A_438 = vector.shape_cast %get3A_437 : vector<16xf32> to vector<16xf32>
    %convert_element_type3A_439 = arith.fptosi %get3A_438 : vector<16xf32> to vector<16xi32>
    %mul3A_440 = arith.constant 33 : i32
    %mul3A_441 = vector.broadcast %mul3A_440 : i32 to vector<16xi32>
    %mul3A_442 = arith.muli %convert_element_type3A_435, %mul3A_441 : vector<16xi32>
    %add3A_443 = arith.addi %mul3A_442, %convert_element_type3A_439 : vector<16xi32>
    %swap3A_444 = arith.constant 3 : i32
    %swap3A_445 = arith.index_cast %swap3A_444 : i32 to index
    %swap3A_446 = arith.constant 0 : index
    %swap3A_447 = tpu.vector_load %arg8[%swap3A_445, %swap3A_446] {strides = array<i32>} : memref<4x128xi32, #tpu.memory_space<vmem>>, vector<1x16xi32>,
    %swap3A_448 = vector.shape_cast %swap3A_447 : vector<1x16xi32> to vector<16xi32>
    %swap3A_449 = vector.shape_cast %add3A_443 : vector<16xi32> to vector<1x16xi32>
    tpu.vector_store %arg8[%swap3A_445, %swap3A_446], %swap3A_449 {strides = array<i32>} : memref<4x128xi32, #tpu.memory_space<vmem>>, vector<1x16xi32>,
    %get3A_450 = arith.constant 400 : index
    %get3A_451 = tpu.vector_load %arg6[%get3A_450] {strides = array<i32>} : memref<512xf32, #tpu.memory_space<vmem>>, vector<16xf32>,
    %get3A_452 = vector.shape_cast %get3A_451 : vector<16xf32> to vector<16xf32>
    %convert_element_type3A_453 = arith.fptosi %get3A_452 : vector<16xf32> to vector<16xi32>
    %get3A_454 = arith.constant 400 : index
    %get3A_455 = tpu.vector_load %arg7[%get3A_454] {strides = array<i32>} : memref<512xf32, #tpu.memory_space<vmem>>, vector<16xf32>,
    %get3A_456 = vector.shape_cast %get3A_455 : vector<16xf32> to vector<16xf32>
    %convert_element_type3A_457 = arith.fptosi %get3A_456 : vector<16xf32> to vector<16xi32>
    %mul3A_458 = arith.constant 33 : i32
    %mul3A_459 = vector.broadcast %mul3A_458 : i32 to vector<16xi32>
    %mul3A_460 = arith.muli %convert_element_type3A_453, %mul3A_459 : vector<16xi32>
    %add3A_461 = arith.addi %mul3A_460, %convert_element_type3A_457 : vector<16xi32>
    %swap3A_462 = arith.constant 3 : i32
    %swap3A_463 = arith.index_cast %swap3A_462 : i32 to index
    %swap3A_464 = arith.constant 16 : index
    %swap3A_465 = tpu.vector_load %arg8[%swap3A_463, %swap3A_464] {strides = array<i32>} : memref<4x128xi32, #tpu.memory_space<vmem>>, vector<1x16xi32>,
    %swap3A_466 = vector.shape_cast %swap3A_465 : vector<1x16xi32> to vector<16xi32>
    %swap3A_467 = vector.shape_cast %add3A_461 : vector<16xi32> to vector<1x16xi32>
    tpu.vector_store %arg8[%swap3A_463, %swap3A_464], %swap3A_467 {strides = array<i32>} : memref<4x128xi32, #tpu.memory_space<vmem>>, vector<1x16xi32>,
    %get3A_468 = arith.constant 416 : index
    %get3A_469 = tpu.vector_load %arg6[%get3A_468] {strides = array<i32>} : memref<512xf32, #tpu.memory_space<vmem>>, vector<16xf32>,
    %get3A_470 = vector.shape_cast %get3A_469 : vector<16xf32> to vector<16xf32>
    %convert_element_type3A_471 = arith.fptosi %get3A_470 : vector<16xf32> to vector<16xi32>
    %get3A_472 = arith.constant 416 : index
    %get3A_473 = tpu.vector_load %arg7[%get3A_472] {strides = array<i32>} : memref<512xf32, #tpu.memory_space<vmem>>, vector<16xf32>,
    %get3A_474 = vector.shape_cast %get3A_473 : vector<16xf32> to vector<16xf32>
    %convert_element_type3A_475 = arith.fptosi %get3A_474 : vector<16xf32> to vector<16xi32>
    %mul3A_476 = arith.constant 33 : i32
    %mul3A_477 = vector.broadcast %mul3A_476 : i32 to vector<16xi32>
    %mul3A_478 = arith.muli %convert_element_type3A_471, %mul3A_477 : vector<16xi32>
    %add3A_479 = arith.addi %mul3A_478, %convert_element_type3A_475 : vector<16xi32>
    %swap3A_480 = arith.constant 3 : i32
    %swap3A_481 = arith.index_cast %swap3A_480 : i32 to index
    %swap3A_482 = arith.constant 32 : index
    %swap3A_483 = tpu.vector_load %arg8[%swap3A_481, %swap3A_482] {strides = array<i32>} : memref<4x128xi32, #tpu.memory_space<vmem>>, vector<1x16xi32>,
    %swap3A_484 = vector.shape_cast %swap3A_483 : vector<1x16xi32> to vector<16xi32>
    %swap3A_485 = vector.shape_cast %add3A_479 : vector<16xi32> to vector<1x16xi32>
    tpu.vector_store %arg8[%swap3A_481, %swap3A_482], %swap3A_485 {strides = array<i32>} : memref<4x128xi32, #tpu.memory_space<vmem>>, vector<1x16xi32>,
    %get3A_486 = arith.constant 432 : index
    %get3A_487 = tpu.vector_load %arg6[%get3A_486] {strides = array<i32>} : memref<512xf32, #tpu.memory_space<vmem>>, vector<16xf32>,
    %get3A_488 = vector.shape_cast %get3A_487 : vector<16xf32> to vector<16xf32>
    %convert_element_type3A_489 = arith.fptosi %get3A_488 : vector<16xf32> to vector<16xi32>
    %get3A_490 = arith.constant 432 : index
    %get3A_491 = tpu.vector_load %arg7[%get3A_490] {strides = array<i32>} : memref<512xf32, #tpu.memory_space<vmem>>, vector<16xf32>,
    %get3A_492 = vector.shape_cast %get3A_491 : vector<16xf32> to vector<16xf32>
    %convert_element_type3A_493 = arith.fptosi %get3A_492 : vector<16xf32> to vector<16xi32>
    %mul3A_494 = arith.constant 33 : i32
    %mul3A_495 = vector.broadcast %mul3A_494 : i32 to vector<16xi32>
    %mul3A_496 = arith.muli %convert_element_type3A_489, %mul3A_495 : vector<16xi32>
    %add3A_497 = arith.addi %mul3A_496, %convert_element_type3A_493 : vector<16xi32>
    %swap3A_498 = arith.constant 3 : i32
    %swap3A_499 = arith.index_cast %swap3A_498 : i32 to index
    %swap3A_500 = arith.constant 48 : index
    %swap3A_501 = tpu.vector_load %arg8[%swap3A_499, %swap3A_500] {strides = array<i32>} : memref<4x128xi32, #tpu.memory_space<vmem>>, vector<1x16xi32>,
    %swap3A_502 = vector.shape_cast %swap3A_501 : vector<1x16xi32> to vector<16xi32>
    %swap3A_503 = vector.shape_cast %add3A_497 : vector<16xi32> to vector<1x16xi32>
    tpu.vector_store %arg8[%swap3A_499, %swap3A_500], %swap3A_503 {strides = array<i32>} : memref<4x128xi32, #tpu.memory_space<vmem>>, vector<1x16xi32>,
    %get3A_504 = arith.constant 448 : index
    %get3A_505 = tpu.vector_load %arg6[%get3A_504] {strides = array<i32>} : memref<512xf32, #tpu.memory_space<vmem>>, vector<16xf32>,
    %get3A_506 = vector.shape_cast %get3A_505 : vector<16xf32> to vector<16xf32>
    %convert_element_type3A_507 = arith.fptosi %get3A_506 : vector<16xf32> to vector<16xi32>
    %get3A_508 = arith.constant 448 : index
    %get3A_509 = tpu.vector_load %arg7[%get3A_508] {strides = array<i32>} : memref<512xf32, #tpu.memory_space<vmem>>, vector<16xf32>,
    %get3A_510 = vector.shape_cast %get3A_509 : vector<16xf32> to vector<16xf32>
    %convert_element_type3A_511 = arith.fptosi %get3A_510 : vector<16xf32> to vector<16xi32>
    %mul3A_512 = arith.constant 33 : i32
    %mul3A_513 = vector.broadcast %mul3A_512 : i32 to vector<16xi32>
    %mul3A_514 = arith.muli %convert_element_type3A_507, %mul3A_513 : vector<16xi32>
    %add3A_515 = arith.addi %mul3A_514, %convert_element_type3A_511 : vector<16xi32>
    %swap3A_516 = arith.constant 3 : i32
    %swap3A_517 = arith.index_cast %swap3A_516 : i32 to index
    %swap3A_518 = arith.constant 64 : index
    %swap3A_519 = tpu.vector_load %arg8[%swap3A_517, %swap3A_518] {strides = array<i32>} : memref<4x128xi32, #tpu.memory_space<vmem>>, vector<1x16xi32>,
    %swap3A_520 = vector.shape_cast %swap3A_519 : vector<1x16xi32> to vector<16xi32>
    %swap3A_521 = vector.shape_cast %add3A_515 : vector<16xi32> to vector<1x16xi32>
    tpu.vector_store %arg8[%swap3A_517, %swap3A_518], %swap3A_521 {strides = array<i32>} : memref<4x128xi32, #tpu.memory_space<vmem>>, vector<1x16xi32>,
    %get3A_522 = arith.constant 464 : index
    %get3A_523 = tpu.vector_load %arg6[%get3A_522] {strides = array<i32>} : memref<512xf32, #tpu.memory_space<vmem>>, vector<16xf32>,
    %get3A_524 = vector.shape_cast %get3A_523 : vector<16xf32> to vector<16xf32>
    %convert_element_type3A_525 = arith.fptosi %get3A_524 : vector<16xf32> to vector<16xi32>
    %get3A_526 = arith.constant 464 : index
    %get3A_527 = tpu.vector_load %arg7[%get3A_526] {strides = array<i32>} : memref<512xf32, #tpu.memory_space<vmem>>, vector<16xf32>,
    %get3A_528 = vector.shape_cast %get3A_527 : vector<16xf32> to vector<16xf32>
    %convert_element_type3A_529 = arith.fptosi %get3A_528 : vector<16xf32> to vector<16xi32>
    %mul3A_530 = arith.constant 33 : i32
    %mul3A_531 = vector.broadcast %mul3A_530 : i32 to vector<16xi32>
    %mul3A_532 = arith.muli %convert_element_type3A_525, %mul3A_531 : vector<16xi32>
    %add3A_533 = arith.addi %mul3A_532, %convert_element_type3A_529 : vector<16xi32>
    %swap3A_534 = arith.constant 3 : i32
    %swap3A_535 = arith.index_cast %swap3A_534 : i32 to index
    %swap3A_536 = arith.constant 80 : index
    %swap3A_537 = tpu.vector_load %arg8[%swap3A_535, %swap3A_536] {strides = array<i32>} : memref<4x128xi32, #tpu.memory_space<vmem>>, vector<1x16xi32>,
    %swap3A_538 = vector.shape_cast %swap3A_537 : vector<1x16xi32> to vector<16xi32>
    %swap3A_539 = vector.shape_cast %add3A_533 : vector<16xi32> to vector<1x16xi32>
    tpu.vector_store %arg8[%swap3A_535, %swap3A_536], %swap3A_539 {strides = array<i32>} : memref<4x128xi32, #tpu.memory_space<vmem>>, vector<1x16xi32>,
    %get3A_540 = arith.constant 480 : index
    %get3A_541 = tpu.vector_load %arg6[%get3A_540] {strides = array<i32>} : memref<512xf32, #tpu.memory_space<vmem>>, vector<16xf32>,
    %get3A_542 = vector.shape_cast %get3A_541 : vector<16xf32> to vector<16xf32>
    %convert_element_type3A_543 = arith.fptosi %get3A_542 : vector<16xf32> to vector<16xi32>
    %get3A_544 = arith.constant 480 : index
    %get3A_545 = tpu.vector_load %arg7[%get3A_544] {strides = array<i32>} : memref<512xf32, #tpu.memory_space<vmem>>, vector<16xf32>,
    %get3A_546 = vector.shape_cast %get3A_545 : vector<16xf32> to vector<16xf32>
    %convert_element_type3A_547 = arith.fptosi %get3A_546 : vector<16xf32> to vector<16xi32>
    %mul3A_548 = arith.constant 33 : i32
    %mul3A_549 = vector.broadcast %mul3A_548 : i32 to vector<16xi32>
    %mul3A_550 = arith.muli %convert_element_type3A_543, %mul3A_549 : vector<16xi32>
    %add3A_551 = arith.addi %mul3A_550, %convert_element_type3A_547 : vector<16xi32>
    %swap3A_552 = arith.constant 3 : i32
    %swap3A_553 = arith.index_cast %swap3A_552 : i32 to index
    %swap3A_554 = arith.constant 96 : index
    %swap3A_555 = tpu.vector_load %arg8[%swap3A_553, %swap3A_554] {strides = array<i32>} : memref<4x128xi32, #tpu.memory_space<vmem>>, vector<1x16xi32>,
    %swap3A_556 = vector.shape_cast %swap3A_555 : vector<1x16xi32> to vector<16xi32>
    %swap3A_557 = vector.shape_cast %add3A_551 : vector<16xi32> to vector<1x16xi32>
    tpu.vector_store %arg8[%swap3A_553, %swap3A_554], %swap3A_557 {strides = array<i32>} : memref<4x128xi32, #tpu.memory_space<vmem>>, vector<1x16xi32>,
    %get3A_558 = arith.constant 496 : index
    %get3A_559 = tpu.vector_load %arg6[%get3A_558] {strides = array<i32>} : memref<512xf32, #tpu.memory_space<vmem>>, vector<16xf32>,
    %get3A_560 = vector.shape_cast %get3A_559 : vector<16xf32> to vector<16xf32>
    %convert_element_type3A_561 = arith.fptosi %get3A_560 : vector<16xf32> to vector<16xi32>
    %get3A_562 = arith.constant 496 : index
    %get3A_563 = tpu.vector_load %arg7[%get3A_562] {strides = array<i32>} : memref<512xf32, #tpu.memory_space<vmem>>, vector<16xf32>,
    %get3A_564 = vector.shape_cast %get3A_563 : vector<16xf32> to vector<16xf32>
    %convert_element_type3A_565 = arith.fptosi %get3A_564 : vector<16xf32> to vector<16xi32>
    %mul3A_566 = arith.constant 33 : i32
    %mul3A_567 = vector.broadcast %mul3A_566 : i32 to vector<16xi32>
    %mul3A_568 = arith.muli %convert_element_type3A_561, %mul3A_567 : vector<16xi32>
    %add3A_569 = arith.addi %mul3A_568, %convert_element_type3A_565 : vector<16xi32>
    %swap3A_570 = arith.constant 3 : i32
    %swap3A_571 = arith.index_cast %swap3A_570 : i32 to index
    %swap3A_572 = arith.constant 112 : index
    %swap3A_573 = tpu.vector_load %arg8[%swap3A_571, %swap3A_572] {strides = array<i32>} : memref<4x128xi32, #tpu.memory_space<vmem>>, vector<1x16xi32>,
    %swap3A_574 = vector.shape_cast %swap3A_573 : vector<1x16xi32> to vector<16xi32>
    %swap3A_575 = vector.shape_cast %add3A_569 : vector<16xi32> to vector<1x16xi32>
    tpu.vector_store %arg8[%swap3A_571, %swap3A_572], %swap3A_575 {strides = array<i32>} : memref<4x128xi32, #tpu.memory_space<vmem>>, vector<1x16xi32>,
    %dma_start3A = arith.constant 0 : i32
    %dma_start3A_576 = arith.constant 0 : i32
    %dma_start3A_577 = arith.constant 0 : i32
    %dma_start3A_578 = tpu.memref_slice %arg9[%dma_start3A_576, %dma_start3A_577] : memref<512x128xf32, #tpu.memory_space<vmem>> -> memref<128x128xf32, #tpu.memory_space<vmem>>
    %dma_start3A_579 = arith.constant 0 : i32
    %dma_start3A_580 = tpu.memref_slice %arg8[%dma_start3A, %dma_start3A_579] : memref<4x128xi32, #tpu.memory_space<vmem>> -> memref<1x128xi32, #tpu.memory_space<vmem>>
    %dma_start3A_581 = tpu.memref_squeeze %dma_start3A_580 : memref<1x128xi32, #tpu.memory_space<vmem>> -> memref<128xi32, #tpu.memory_space<vmem>>
    %dma_start3A_582 = arith.constant 0 : i32
    %dma_start3A_583 = arith.constant 0 : i32
    %dma_start3A_584 = tpu.memref_slice %arg4[%dma_start3A_582, %dma_start3A_583] : memref<1784x128xf32, #tpu.memory_space<hbm>> -> memref<1784x128xf32, #tpu.memory_space<hbm>>
    tpu.enqueue_indirect_dma source(%dma_start3A_584 : memref<1784x128xf32, #tpu.memory_space<hbm>>) target(%dma_start3A_578 : memref<128x128xf32, #tpu.memory_space<vmem>>) offsets(%dma_start3A_581 : memref<128xi32, #tpu.memory_space<vmem>>) semaphore(%arg10 : memref<!tpu.dma_semaphore, #tpu.memory_space<semaphore_mem>>)
    %dma_wait3A = arith.constant 0 : i32
    %dma_wait3A_585 = arith.constant 0 : i32
    %dma_wait3A_586 = arith.constant 0 : i32
    %dma_wait3A_587 = tpu.memref_slice %arg9[%dma_wait3A_585, %dma_wait3A_586] : memref<512x128xf32, #tpu.memory_space<vmem>> -> memref<128x128xf32, #tpu.memory_space<vmem>>
    %dma_wait3A_588 = arith.constant 0 : i32
    %dma_wait3A_589 = tpu.memref_slice %arg8[%dma_wait3A, %dma_wait3A_588] : memref<4x128xi32, #tpu.memory_space<vmem>> -> memref<1x128xi32, #tpu.memory_space<vmem>>
    %dma_wait3A_590 = tpu.memref_squeeze %dma_wait3A_589 : memref<1x128xi32, #tpu.memory_space<vmem>> -> memref<128xi32, #tpu.memory_space<vmem>>
    %dma_wait3A_591 = arith.constant 0 : i32
    %dma_wait3A_592 = arith.constant 0 : i32
    %dma_wait3A_593 = tpu.memref_slice %arg4[%dma_wait3A_591, %dma_wait3A_592] : memref<1784x128xf32, #tpu.memory_space<hbm>> -> memref<1784x128xf32, #tpu.memory_space<hbm>>
    tpu.wait_indirect_dma semaphore(%arg10 : memref<!tpu.dma_semaphore, #tpu.memory_space<semaphore_mem>>) src(%dma_wait3A_593 : memref<1784x128xf32, #tpu.memory_space<hbm>>) dst(%dma_wait3A_587 : memref<128x128xf32, #tpu.memory_space<vmem>>)
    %dma_start3A_594 = arith.constant 1 : i32
    %dma_start3A_595 = arith.constant 128 : i32
    %dma_start3A_596 = arith.constant 0 : i32
    %dma_start3A_597 = tpu.memref_slice %arg9[%dma_start3A_595, %dma_start3A_596] : memref<512x128xf32, #tpu.memory_space<vmem>> -> memref<128x128xf32, #tpu.memory_space<vmem>>
    %dma_start3A_598 = arith.constant 0 : i32
    %dma_start3A_599 = tpu.memref_slice %arg8[%dma_start3A_594, %dma_start3A_598] : memref<4x128xi32, #tpu.memory_space<vmem>> -> memref<1x128xi32, #tpu.memory_space<vmem>>
    %dma_start3A_600 = tpu.memref_squeeze %dma_start3A_599 : memref<1x128xi32, #tpu.memory_space<vmem>> -> memref<128xi32, #tpu.memory_space<vmem>>
    %dma_start3A_601 = arith.constant 0 : i32
    %dma_start3A_602 = arith.constant 0 : i32
    %dma_start3A_603 = tpu.memref_slice %arg4[%dma_start3A_601, %dma_start3A_602] : memref<1784x128xf32, #tpu.memory_space<hbm>> -> memref<1784x128xf32, #tpu.memory_space<hbm>>
    tpu.enqueue_indirect_dma source(%dma_start3A_603 : memref<1784x128xf32, #tpu.memory_space<hbm>>) target(%dma_start3A_597 : memref<128x128xf32, #tpu.memory_space<vmem>>) offsets(%dma_start3A_600 : memref<128xi32, #tpu.memory_space<vmem>>) semaphore(%arg10 : memref<!tpu.dma_semaphore, #tpu.memory_space<semaphore_mem>>)
    %dma_wait3A_604 = arith.constant 1 : i32
    %dma_wait3A_605 = arith.constant 128 : i32
    %dma_wait3A_606 = arith.constant 0 : i32
    %dma_wait3A_607 = tpu.memref_slice %arg9[%dma_wait3A_605, %dma_wait3A_606] : memref<512x128xf32, #tpu.memory_space<vmem>> -> memref<128x128xf32, #tpu.memory_space<vmem>>
    %dma_wait3A_608 = arith.constant 0 : i32
    %dma_wait3A_609 = tpu.memref_slice %arg8[%dma_wait3A_604, %dma_wait3A_608] : memref<4x128xi32, #tpu.memory_space<vmem>> -> memref<1x128xi32, #tpu.memory_space<vmem>>
    %dma_wait3A_610 = tpu.memref_squeeze %dma_wait3A_609 : memref<1x128xi32, #tpu.memory_space<vmem>> -> memref<128xi32, #tpu.memory_space<vmem>>
    %dma_wait3A_611 = arith.constant 0 : i32
    %dma_wait3A_612 = arith.constant 0 : i32
    %dma_wait3A_613 = tpu.memref_slice %arg4[%dma_wait3A_611, %dma_wait3A_612] : memref<1784x128xf32, #tpu.memory_space<hbm>> -> memref<1784x128xf32, #tpu.memory_space<hbm>>
    tpu.wait_indirect_dma semaphore(%arg10 : memref<!tpu.dma_semaphore, #tpu.memory_space<semaphore_mem>>) src(%dma_wait3A_613 : memref<1784x128xf32, #tpu.memory_space<hbm>>) dst(%dma_wait3A_607 : memref<128x128xf32, #tpu.memory_space<vmem>>)
    %dma_start3A_614 = arith.constant 2 : i32
    %dma_start3A_615 = arith.constant 256 : i32
    %dma_start3A_616 = arith.constant 0 : i32
    %dma_start3A_617 = tpu.memref_slice %arg9[%dma_start3A_615, %dma_start3A_616] : memref<512x128xf32, #tpu.memory_space<vmem>> -> memref<128x128xf32, #tpu.memory_space<vmem>>
    %dma_start3A_618 = arith.constant 0 : i32
    %dma_start3A_619 = tpu.memref_slice %arg8[%dma_start3A_614, %dma_start3A_618] : memref<4x128xi32, #tpu.memory_space<vmem>> -> memref<1x128xi32, #tpu.memory_space<vmem>>
    %dma_start3A_620 = tpu.memref_squeeze %dma_start3A_619 : memref<1x128xi32, #tpu.memory_space<vmem>> -> memref<128xi32, #tpu.memory_space<vmem>>
    %dma_start3A_621 = arith.constant 0 : i32
    %dma_start3A_622 = arith.constant 0 : i32
    %dma_start3A_623 = tpu.memref_slice %arg4[%dma_start3A_621, %dma_start3A_622] : memref<1784x128xf32, #tpu.memory_space<hbm>> -> memref<1784x128xf32, #tpu.memory_space<hbm>>
    tpu.enqueue_indirect_dma source(%dma_start3A_623 : memref<1784x128xf32, #tpu.memory_space<hbm>>) target(%dma_start3A_617 : memref<128x128xf32, #tpu.memory_space<vmem>>) offsets(%dma_start3A_620 : memref<128xi32, #tpu.memory_space<vmem>>) semaphore(%arg10 : memref<!tpu.dma_semaphore, #tpu.memory_space<semaphore_mem>>)
    %dma_wait3A_624 = arith.constant 2 : i32
    %dma_wait3A_625 = arith.constant 256 : i32
    %dma_wait3A_626 = arith.constant 0 : i32
    %dma_wait3A_627 = tpu.memref_slice %arg9[%dma_wait3A_625, %dma_wait3A_626] : memref<512x128xf32, #tpu.memory_space<vmem>> -> memref<128x128xf32, #tpu.memory_space<vmem>>
    %dma_wait3A_628 = arith.constant 0 : i32
    %dma_wait3A_629 = tpu.memref_slice %arg8[%dma_wait3A_624, %dma_wait3A_628] : memref<4x128xi32, #tpu.memory_space<vmem>> -> memref<1x128xi32, #tpu.memory_space<vmem>>
    %dma_wait3A_630 = tpu.memref_squeeze %dma_wait3A_629 : memref<1x128xi32, #tpu.memory_space<vmem>> -> memref<128xi32, #tpu.memory_space<vmem>>
    %dma_wait3A_631 = arith.constant 0 : i32
    %dma_wait3A_632 = arith.constant 0 : i32
    %dma_wait3A_633 = tpu.memref_slice %arg4[%dma_wait3A_631, %dma_wait3A_632] : memref<1784x128xf32, #tpu.memory_space<hbm>> -> memref<1784x128xf32, #tpu.memory_space<hbm>>
    tpu.wait_indirect_dma semaphore(%arg10 : memref<!tpu.dma_semaphore, #tpu.memory_space<semaphore_mem>>) src(%dma_wait3A_633 : memref<1784x128xf32, #tpu.memory_space<hbm>>) dst(%dma_wait3A_627 : memref<128x128xf32, #tpu.memory_space<vmem>>)
    %dma_start3A_634 = arith.constant 3 : i32
    %dma_start3A_635 = arith.constant 384 : i32
    %dma_start3A_636 = arith.constant 0 : i32
    %dma_start3A_637 = tpu.memref_slice %arg9[%dma_start3A_635, %dma_start3A_636] : memref<512x128xf32, #tpu.memory_space<vmem>> -> memref<128x128xf32, #tpu.memory_space<vmem>>
    %dma_start3A_638 = arith.constant 0 : i32
    %dma_start3A_639 = tpu.memref_slice %arg8[%dma_start3A_634, %dma_start3A_638] : memref<4x128xi32, #tpu.memory_space<vmem>> -> memref<1x128xi32, #tpu.memory_space<vmem>>
    %dma_start3A_640 = tpu.memref_squeeze %dma_start3A_639 : memref<1x128xi32, #tpu.memory_space<vmem>> -> memref<128xi32, #tpu.memory_space<vmem>>
    %dma_start3A_641 = arith.constant 0 : i32
    %dma_start3A_642 = arith.constant 0 : i32
    %dma_start3A_643 = tpu.memref_slice %arg4[%dma_start3A_641, %dma_start3A_642] : memref<1784x128xf32, #tpu.memory_space<hbm>> -> memref<1784x128xf32, #tpu.memory_space<hbm>>
    tpu.enqueue_indirect_dma source(%dma_start3A_643 : memref<1784x128xf32, #tpu.memory_space<hbm>>) target(%dma_start3A_637 : memref<128x128xf32, #tpu.memory_space<vmem>>) offsets(%dma_start3A_640 : memref<128xi32, #tpu.memory_space<vmem>>) semaphore(%arg10 : memref<!tpu.dma_semaphore, #tpu.memory_space<semaphore_mem>>)
    %dma_wait3A_644 = arith.constant 3 : i32
    %dma_wait3A_645 = arith.constant 384 : i32
    %dma_wait3A_646 = arith.constant 0 : i32
    %dma_wait3A_647 = tpu.memref_slice %arg9[%dma_wait3A_645, %dma_wait3A_646] : memref<512x128xf32, #tpu.memory_space<vmem>> -> memref<128x128xf32, #tpu.memory_space<vmem>>
    %dma_wait3A_648 = arith.constant 0 : i32
    %dma_wait3A_649 = tpu.memref_slice %arg8[%dma_wait3A_644, %dma_wait3A_648] : memref<4x128xi32, #tpu.memory_space<vmem>> -> memref<1x128xi32, #tpu.memory_space<vmem>>
    %dma_wait3A_650 = tpu.memref_squeeze %dma_wait3A_649 : memref<1x128xi32, #tpu.memory_space<vmem>> -> memref<128xi32, #tpu.memory_space<vmem>>
    %dma_wait3A_651 = arith.constant 0 : i32
    %dma_wait3A_652 = arith.constant 0 : i32
    %dma_wait3A_653 = tpu.memref_slice %arg4[%dma_wait3A_651, %dma_wait3A_652] : memref<1784x128xf32, #tpu.memory_space<hbm>> -> memref<1784x128xf32, #tpu.memory_space<hbm>>
    tpu.wait_indirect_dma semaphore(%arg10 : memref<!tpu.dma_semaphore, #tpu.memory_space<semaphore_mem>>) src(%dma_wait3A_653 : memref<1784x128xf32, #tpu.memory_space<hbm>>) dst(%dma_wait3A_647 : memref<128x128xf32, #tpu.memory_space<vmem>>)
    "tpu.region"() ({
      %run_scoped3A = tpu.sem_alloc : memref<!tpu.dma_semaphore, #tpu.memory_space<semaphore_mem>>
      %dma_start3A_654 = arith.constant 0 : i32
      %dma_start3A_655 = tpu.memref_slice %arg5[%mul3A_2, %dma_start3A_654] : memref<16384x128xf32, #tpu.memory_space<hbm>> -> memref<512x128xf32, #tpu.memory_space<hbm>>
      %dma_start3A_656 = arith.constant 0 : i32
      %dma_start3A_657 = tpu.memref_slice %arg5[%mul3A_2, %dma_start3A_656] : memref<16384x128xf32, #tpu.memory_space<hbm>> -> memref<512x128xf32, #tpu.memory_space<hbm>>
      tpu.enqueue_dma source(%arg9 : memref<512x128xf32, #tpu.memory_space<vmem>>) target(%dma_start3A_657 : memref<512x128xf32, #tpu.memory_space<hbm>>) target_semaphore(%run_scoped3A : memref<!tpu.dma_semaphore, #tpu.memory_space<semaphore_mem>>)
      %dma_wait3A_658 = arith.constant 0 : i32
      %dma_wait3A_659 = tpu.memref_slice %arg5[%mul3A_2, %dma_wait3A_658] : memref<16384x128xf32, #tpu.memory_space<hbm>> -> memref<512x128xf32, #tpu.memory_space<hbm>>
      %dma_wait3A_660 = arith.constant 0 : i32
      %dma_wait3A_661 = tpu.memref_slice %arg5[%mul3A_2, %dma_wait3A_660] : memref<16384x128xf32, #tpu.memory_space<hbm>> -> memref<512x128xf32, #tpu.memory_space<hbm>>
      tpu.wait_dma2 semaphore(%run_scoped3A : memref<!tpu.dma_semaphore, #tpu.memory_space<semaphore_mem>>) src(%arg9 : memref<512x128xf32, #tpu.memory_space<vmem>>) dst(%dma_wait3A_661 : memref<512x128xf32, #tpu.memory_space<hbm>>)
      tpu.yield
    }) : () -> ()
    return
  }
}

module attributes {stable_mosaic.version = 14 : i64} {
  func.func @_mlp_body(%arg0: memref<16384x10xf32, #tpu.memory_space<vmem>>, %arg1: memref<16384x128xf32, #tpu.memory_space<vmem>>, %arg2: memref<8x20xf32, #tpu.memory_space<vmem>>, %arg3: memref<128x20xf32, #tpu.memory_space<vmem>>, %arg4: memref<1x20xf32, #tpu.memory_space<vmem>>, %arg5: memref<1x20xf32, #tpu.memory_space<vmem>>, %arg6: memref<1x20xf32, #tpu.memory_space<vmem>>, %arg7: memref<20x10xf32, #tpu.memory_space<vmem>>, %arg8: memref<1x10xf32, #tpu.memory_space<vmem>>, %arg9: memref<1x10xf32, #tpu.memory_space<vmem>>, %arg10: memref<1x10xf32, #tpu.memory_space<vmem>>, %arg11: memref<10x1xf32, #tpu.memory_space<vmem>>, %arg12: memref<1x1xf32, #tpu.memory_space<vmem>>, %arg13: memref<16384x1xf32, #tpu.memory_space<vmem>>) attributes {dimension_semantics = [], scalar_prefetch = 0 : i64, scratch_operands = 0 : i64, tpu.core_type = #tpu.core_type<tc>} {
    %get3A = arith.constant 0 : index
    %get3A_0 = arith.constant 0 : index
    %get3A_1 = vector.load %arg0[%get3A, %get3A_0] : memref<16384x10xf32, #tpu.memory_space<vmem>>, vector<16384x10xf32>
    %slice3A = vector.extract_strided_slice %get3A_1 {offsets = [0, 0], sizes = [16384, 8], strides = [1, 1]} : vector<16384x10xf32> to vector<16384x8xf32>
    %get3A_2 = arith.constant 0 : index
    %get3A_3 = arith.constant 0 : index
    %get3A_4 = vector.load %arg2[%get3A_2, %get3A_3] : memref<8x20xf32, #tpu.memory_space<vmem>>, vector<8x20xf32>
    %dot_general3A = arith.constant dense<0.000000e+00> : vector<16384x20xf32>
    %dot_general3A_5 = tpu.matmul %slice3A, %get3A_4, %dot_general3A {dimension_numbers = #tpu.dot_dimension_numbers<[1], [0], [0], [1], [0, 0, 1, 1], [], []>, transpose_lhs_hint = false} : vector<16384x8xf32>, vector<8x20xf32>, vector<16384x20xf32> -> vector<16384x20xf32>
    %get3A_6 = arith.constant 0 : index
    %get3A_7 = arith.constant 0 : index
    %get3A_8 = vector.load %arg1[%get3A_6, %get3A_7] : memref<16384x128xf32, #tpu.memory_space<vmem>>, vector<16384x128xf32>
    %get3A_9 = arith.constant 0 : index
    %get3A_10 = arith.constant 0 : index
    %get3A_11 = vector.load %arg3[%get3A_9, %get3A_10] : memref<128x20xf32, #tpu.memory_space<vmem>>, vector<128x20xf32>
    %dot_general3A_12 = arith.constant dense<0.000000e+00> : vector<16384x20xf32>
    %dot_general3A_13 = tpu.matmul %get3A_8, %get3A_11, %dot_general3A_12 {dimension_numbers = #tpu.dot_dimension_numbers<[1], [0], [0], [1], [0, 0, 1, 1], [], []>, transpose_lhs_hint = false} : vector<16384x128xf32>, vector<128x20xf32>, vector<16384x20xf32> -> vector<16384x20xf32>
    %add3A = arith.addf %dot_general3A_5, %dot_general3A_13 : vector<16384x20xf32>
    %get3A_14 = arith.constant 0 : index
    %get3A_15 = arith.constant 0 : index
    %get3A_16 = vector.load %arg4[%get3A_14, %get3A_15] : memref<1x20xf32, #tpu.memory_space<vmem>>, vector<1x20xf32>
    %add3A_17 = vector.broadcast %get3A_16 : vector<1x20xf32> to vector<16384x20xf32>
    %add3A_18 = arith.addf %add3A, %add3A_17 : vector<16384x20xf32>
    %max3A = arith.constant 0.000000e+00 : f32
    %max3A_19 = vector.broadcast %max3A : f32 to vector<16384x20xf32>
    %max3A_20 = arith.maximumf %add3A_18, %max3A_19 : vector<16384x20xf32>
    %reduce_sum3A = arith.constant dense<0.000000e+00> : vector<20xf32>
    %reduce_sum3A_21 = vector.multi_reduction <add>, %max3A_20, %reduce_sum3A [0] : vector<16384x20xf32> to vector<20xf32>
    %broadcast_in_dim3A = vector.shape_cast %reduce_sum3A_21 : vector<20xf32> to vector<1x20xf32>
    %div3A = arith.constant 1.638400e+04 : f32
    %div3A_22 = vector.broadcast %div3A : f32 to vector<1x20xf32>
    %div3A_23 = arith.divf %broadcast_in_dim3A, %div3A_22 : vector<1x20xf32>
    %sub3A = vector.broadcast %div3A_23 : vector<1x20xf32> to vector<16384x20xf32>
    %sub3A_24 = arith.subf %max3A_20, %sub3A : vector<16384x20xf32>
    %sub3A_25 = vector.broadcast %div3A_23 : vector<1x20xf32> to vector<16384x20xf32>
    %sub3A_26 = arith.subf %max3A_20, %sub3A_25 : vector<16384x20xf32>
    %mul3A = arith.mulf %sub3A_24, %sub3A_26 : vector<16384x20xf32>
    %reduce_sum3A_27 = arith.constant dense<0.000000e+00> : vector<20xf32>
    %reduce_sum3A_28 = vector.multi_reduction <add>, %mul3A, %reduce_sum3A_27 [0] : vector<16384x20xf32> to vector<20xf32>
    %broadcast_in_dim3A_29 = vector.shape_cast %reduce_sum3A_28 : vector<20xf32> to vector<1x20xf32>
    %div3A_30 = arith.constant 1.638400e+04 : f32
    %div3A_31 = vector.broadcast %div3A_30 : f32 to vector<1x20xf32>
    %div3A_32 = arith.divf %broadcast_in_dim3A_29, %div3A_31 : vector<1x20xf32>
    %get3A_33 = arith.constant 0 : index
    %get3A_34 = arith.constant 0 : index
    %get3A_35 = vector.load %arg5[%get3A_33, %get3A_34] : memref<1x20xf32, #tpu.memory_space<vmem>>, vector<1x20xf32>
    %sub3A_36 = vector.broadcast %div3A_23 : vector<1x20xf32> to vector<16384x20xf32>
    %sub3A_37 = arith.subf %max3A_20, %sub3A_36 : vector<16384x20xf32>
    %mul3A_38 = vector.broadcast %get3A_35 : vector<1x20xf32> to vector<16384x20xf32>
    %mul3A_39 = arith.mulf %mul3A_38, %sub3A_37 : vector<16384x20xf32>
    %add3A_40 = arith.constant 9.99999974E-6 : f32
    %add3A_41 = vector.broadcast %add3A_40 : f32 to vector<1x20xf32>
    %add3A_42 = arith.addf %div3A_32, %add3A_41 : vector<1x20xf32>
    %rsqrt3A = math.rsqrt %add3A_42 : vector<1x20xf32>
    %mul3A_43 = vector.broadcast %rsqrt3A : vector<1x20xf32> to vector<16384x20xf32>
    %mul3A_44 = arith.mulf %mul3A_39, %mul3A_43 : vector<16384x20xf32>
    %get3A_45 = arith.constant 0 : index
    %get3A_46 = arith.constant 0 : index
    %get3A_47 = vector.load %arg6[%get3A_45, %get3A_46] : memref<1x20xf32, #tpu.memory_space<vmem>>, vector<1x20xf32>
    %add3A_48 = vector.broadcast %get3A_47 : vector<1x20xf32> to vector<16384x20xf32>
    %add3A_49 = arith.addf %mul3A_44, %add3A_48 : vector<16384x20xf32>
    %get3A_50 = arith.constant 0 : index
    %get3A_51 = arith.constant 0 : index
    %get3A_52 = vector.load %arg7[%get3A_50, %get3A_51] : memref<20x10xf32, #tpu.memory_space<vmem>>, vector<20x10xf32>
    %dot_general3A_53 = arith.constant dense<0.000000e+00> : vector<16384x10xf32>
    %dot_general3A_54 = tpu.matmul %add3A_49, %get3A_52, %dot_general3A_53 {dimension_numbers = #tpu.dot_dimension_numbers<[1], [0], [0], [1], [0, 0, 1, 1], [], []>, transpose_lhs_hint = false} : vector<16384x20xf32>, vector<20x10xf32>, vector<16384x10xf32> -> vector<16384x10xf32>
    %get3A_55 = arith.constant 0 : index
    %get3A_56 = arith.constant 0 : index
    %get3A_57 = vector.load %arg8[%get3A_55, %get3A_56] : memref<1x10xf32, #tpu.memory_space<vmem>>, vector<1x10xf32>
    %add3A_58 = vector.broadcast %get3A_57 : vector<1x10xf32> to vector<16384x10xf32>
    %add3A_59 = arith.addf %dot_general3A_54, %add3A_58 : vector<16384x10xf32>
    %max3A_60 = arith.constant 0.000000e+00 : f32
    %max3A_61 = vector.broadcast %max3A_60 : f32 to vector<16384x10xf32>
    %max3A_62 = arith.maximumf %add3A_59, %max3A_61 : vector<16384x10xf32>
    %reduce_sum3A_63 = arith.constant dense<0.000000e+00> : vector<10xf32>
    %reduce_sum3A_64 = vector.multi_reduction <add>, %max3A_62, %reduce_sum3A_63 [0] : vector<16384x10xf32> to vector<10xf32>
    %broadcast_in_dim3A_65 = vector.shape_cast %reduce_sum3A_64 : vector<10xf32> to vector<1x10xf32>
    %div3A_66 = arith.constant 1.638400e+04 : f32
    %div3A_67 = vector.broadcast %div3A_66 : f32 to vector<1x10xf32>
    %div3A_68 = arith.divf %broadcast_in_dim3A_65, %div3A_67 : vector<1x10xf32>
    %sub3A_69 = vector.broadcast %div3A_68 : vector<1x10xf32> to vector<16384x10xf32>
    %sub3A_70 = arith.subf %max3A_62, %sub3A_69 : vector<16384x10xf32>
    %sub3A_71 = vector.broadcast %div3A_68 : vector<1x10xf32> to vector<16384x10xf32>
    %sub3A_72 = arith.subf %max3A_62, %sub3A_71 : vector<16384x10xf32>
    %mul3A_73 = arith.mulf %sub3A_70, %sub3A_72 : vector<16384x10xf32>
    %reduce_sum3A_74 = arith.constant dense<0.000000e+00> : vector<10xf32>
    %reduce_sum3A_75 = vector.multi_reduction <add>, %mul3A_73, %reduce_sum3A_74 [0] : vector<16384x10xf32> to vector<10xf32>
    %broadcast_in_dim3A_76 = vector.shape_cast %reduce_sum3A_75 : vector<10xf32> to vector<1x10xf32>
    %div3A_77 = arith.constant 1.638400e+04 : f32
    %div3A_78 = vector.broadcast %div3A_77 : f32 to vector<1x10xf32>
    %div3A_79 = arith.divf %broadcast_in_dim3A_76, %div3A_78 : vector<1x10xf32>
    %get3A_80 = arith.constant 0 : index
    %get3A_81 = arith.constant 0 : index
    %get3A_82 = vector.load %arg9[%get3A_80, %get3A_81] : memref<1x10xf32, #tpu.memory_space<vmem>>, vector<1x10xf32>
    %sub3A_83 = vector.broadcast %div3A_68 : vector<1x10xf32> to vector<16384x10xf32>
    %sub3A_84 = arith.subf %max3A_62, %sub3A_83 : vector<16384x10xf32>
    %mul3A_85 = vector.broadcast %get3A_82 : vector<1x10xf32> to vector<16384x10xf32>
    %mul3A_86 = arith.mulf %mul3A_85, %sub3A_84 : vector<16384x10xf32>
    %add3A_87 = arith.constant 9.99999974E-6 : f32
    %add3A_88 = vector.broadcast %add3A_87 : f32 to vector<1x10xf32>
    %add3A_89 = arith.addf %div3A_79, %add3A_88 : vector<1x10xf32>
    %rsqrt3A_90 = math.rsqrt %add3A_89 : vector<1x10xf32>
    %mul3A_91 = vector.broadcast %rsqrt3A_90 : vector<1x10xf32> to vector<16384x10xf32>
    %mul3A_92 = arith.mulf %mul3A_86, %mul3A_91 : vector<16384x10xf32>
    %get3A_93 = arith.constant 0 : index
    %get3A_94 = arith.constant 0 : index
    %get3A_95 = vector.load %arg10[%get3A_93, %get3A_94] : memref<1x10xf32, #tpu.memory_space<vmem>>, vector<1x10xf32>
    %add3A_96 = vector.broadcast %get3A_95 : vector<1x10xf32> to vector<16384x10xf32>
    %add3A_97 = arith.addf %mul3A_92, %add3A_96 : vector<16384x10xf32>
    %get3A_98 = arith.constant 0 : index
    %get3A_99 = arith.constant 0 : index
    %get3A_100 = vector.load %arg11[%get3A_98, %get3A_99] : memref<10x1xf32, #tpu.memory_space<vmem>>, vector<10x1xf32>
    %dot_general3A_101 = arith.constant dense<0.000000e+00> : vector<16384x1xf32>
    %dot_general3A_102 = tpu.matmul %add3A_97, %get3A_100, %dot_general3A_101 {dimension_numbers = #tpu.dot_dimension_numbers<[1], [0], [0], [1], [0, 0, 1, 1], [], []>, transpose_lhs_hint = false} : vector<16384x10xf32>, vector<10x1xf32>, vector<16384x1xf32> -> vector<16384x1xf32>
    %get3A_103 = arith.constant 0 : index
    %get3A_104 = arith.constant 0 : index
    %get3A_105 = vector.load %arg12[%get3A_103, %get3A_104] : memref<1x1xf32, #tpu.memory_space<vmem>>, vector<1x1xf32>
    %add3A_106 = vector.broadcast %get3A_105 : vector<1x1xf32> to vector<16384x1xf32>
    %add3A_107 = arith.addf %dot_general3A_102, %add3A_106 : vector<16384x1xf32>
    %swap3A = arith.constant 0 : index
    %swap3A_108 = arith.constant 0 : index
    %swap3A_109 = vector.load %arg13[%swap3A, %swap3A_108] : memref<16384x1xf32, #tpu.memory_space<vmem>>, vector<16384x1xf32>
    tpu.vector_store %arg13[%swap3A, %swap3A_108], %add3A_107 {strides = array<i32>} : memref<16384x1xf32, #tpu.memory_space<vmem>>, vector<16384x1xf32>,
    return
  }
}

</mosaic_0001>

<sc_bundles>
// kernel: kernel.4.cloned.1.call-start
scs
__scs_entry_jumppad:
0x0: {  	(pc) =	sbr.rel $0x88, $3  }
0x1: {  	(tag) =	ssettag $0x0;
	lr =	simm.s32 $0x1  }
0x2: {  	[smem:$0x3F94] =	sst lr;
	_ =	strace $0xD0000000  }
0x3: {  	_ = 	snop  }
0x4: {  	_ = 	snop  }
0x5: {  	_ = 	snop  }
0x6: {  	_ = 	snop  }
0x7: {  	_ = 	snop  }
__scs_overlays_trampoline_lowered:
0x8: {  	[smem:$0x3FA3] =	sst s0  }
0x9: {  	[smem:$0x3FA4] =	sst s1  }
0xa: {  	[smem:$0x3FA5] =	sst s2  }
0xb: {  	[smem:$0x3FA6] =	sst s3  }
0xc: {  	[smem:$0x3FA7] =	sst s4  }
0xd: {  	[smem:$0x3FA8] =	sst s5  }
0xe: {  	[smem:$0x3FA9] =	sst s6  }
0xf: {  	[smem:$0x3FAA] =	sst s7  }
0x10: {  	[smem:$0x3FAB] =	sst s8  }
0x11: {  	[smem:$0x3FAC] =	sst s9;
	s0 =	simm.s32 @!p0 $0x0  }
0x12: {  	s1 =	sld [smem:$0x3F92];
	s0 =	simm.s32 @p0 $0x1  }
0x13: {  	[smem:$0x3FAD] =	sst s0;
	s0 =	simm.s32 @!p1 $0x0  }
0x14: {  	s2 =	sld [smem:$0x3F91];
	s0 =	simm.s32 @p1 $0x1  }
0x15: {  	[smem:$0x3FAE] =	sst s0;
	s0 =	simm.s32 @!p2 $0x0  }
0x16: {  	s3 =	sld [smem:$0x3FDB];
	s0 =	simm.s32 @p2 $0x1  }
0x17: {  	s4 =	simm.s32 $0x1BF5;
	[smem:$0x3FB0] =	sst s0  }
0x18: {  	s0 =	sld [smem:$0x3F93];
	_ =	swait.ge [sflag:s4], $0x0  }
0x19: {  	s7 =	sld [smem:$0x3F94]  }
0x1a: {  	s8 =	sadd.s32 $0xFFFFE003, lr  }
0x1b: {  	s9 =	sadd.s32 $0xFFFFFEF7, lr;
	s5 =	simm.s32 $0xFFFFFFFF;
	p2 =	slt.u32 s8, $0xFFFFF086  }
0x1c: {  	p1 =	slt.u32 s9, $0xF7A;
	s5 =	simm.s32 @!p2 $0x0  }
0x1d: {  	s5 =	simm.s32 @p1 $0x1;
	p0 =	seq.s32 s7, s2  }
0x1e: {  	s7 =	smul.u32 @!p0 $0xF7A, s2;
	p2 =	seq.s32 @!p0 s5, $0x0  }
0x1f: {  	s9 =	smul.u32 $0xF7A, s1;
	s8 =	simm.s32 @!p0 $0x1BF5;
	p2 =	por !p2, p0  }
0x20: {  	[sflag:s8] =	ssyncset.s32 @!p0 $0xFFFFF086;
	s6 =	sadd.s32 @!p0 s3, s7;
	s7 =	simm.s32 @!p0 $0x108  }
0x21: {  	s3 =	sadd.s32 s3, s9;
	s6 =	sadd.s32 @!p0 $0x88, s6;
	s7 =	simm.s32 @p2 $0x1082  }
0x22: {  	[simem:s7], [sflag:s8] =	dma.local @!p0 [hbm:s6], $0xF7A  }
0x23: {  	s9 =	sor.u32 $0xD0000000, s2;
	s6 =	simm.s32 $0x108;
	_ =	swait.ge @!p0 [sflag:s8], $0x0  }
0x24: {  	s3 =	sadd.s32 $0x88, s3;
	s6 =	simm.s32 @!p1 $0x1082;
	[sflag:s4] =	ssyncset.s32 $0xFFFFF086  }
0x25: {  	[simem:s6], [sflag:s4] =	dma.local [hbm:s3], $0xF7A  }
0x26: {  	[smem:$0x3F94] =	sst s1;
	(tag) =	ssettag s2;
	_ =	strace s9  }
0x27: {  	s1 =	sld [smem:$0x3FA4]  }
0x28: {  	s2 =	sld [smem:$0x3FA5]  }
0x29: {  	s4 =	sld [smem:$0x3FA7]  }
0x2a: {  	p0 =	seq.s32 s5, $0x0;
	s5 =	sld [smem:$0x3FA8]  }
0x2b: {  	s6 =	sld [smem:$0x3FA9]  }
0x2c: {  	s7 =	sld [smem:$0x3FAA]  }
0x2d: {  	s3 =	simm.s32 $0x108;
	s8 =	sld [smem:$0x3FAB]  }
0x2e: {  	s3 =	simm.s32 @!p0 $0x1082;
	s9 =	sld [smem:$0x3FAC]  }
0x2f: {  	lr =	sadd.s32 s0, s3;
	s0 =	sld [smem:$0x3FA3]  }
0x30: {  	s3 =	sld [smem:$0x3FA6]  }
0x31: {  	[smem:$0x3FAF] =	sst s10  }
0x32: {  	s10 =	sld [smem:$0x3FAD];
	_ =	sdelay $0x3  }
0x33: {  	p0 =	seq.s32 s10, $0x1;
	s10 =	sld [smem:$0x3FAF];
	_ =	sdelay $0x3  }
0x34: {  	[smem:$0x3FAF] =	sst s10  }
0x35: {  	s10 =	sld [smem:$0x3FAE];
	_ =	sdelay $0x3  }
0x36: {  	p1 =	seq.s32 s10, $0x1;
	s10 =	sld [smem:$0x3FAF];
	_ =	sdelay $0x3  }
0x37: {  	[smem:$0x3FAF] =	sst s10  }
0x38: {  	s10 =	sld [smem:$0x3FB0]  }
0x39: {  	_ = 	snop;
	(pc) =	sbr.ind lr, $3  }
0x3a: {  	_ = 	snop  }
0x3b: {  	_ = 	snop  }
0x3c: {  	p2 =	seq.s32 s10, $0x1;
	s10 =	sld [smem:$0x3FAF]  }
0x3d: {  	_ =	shalt  }
0x3e: {  	_ =	shalt  }
0x3f: {  	_ =	shalt  }
0x40: {  	_ =	shalt  }
0x41: {  	_ =	shalt  }
0x42: {  	_ =	shalt  }
0x43: {  	_ =	shalt  }
0x44: {  	_ =	shalt  }
0x45: {  	_ =	shalt  }
0x46: {  	_ =	shalt  }
0x47: {  	_ =	shalt  }
0x48: {  	_ =	shalt  }
0x49: {  	_ =	shalt  }
0x4a: {  	_ =	shalt  }
0x4b: {  	_ =	shalt  }
0x4c: {  	_ =	shalt  }
0x4d: {  	_ =	shalt  }
0x4e: {  	_ =	shalt  }
0x4f: {  	_ =	shalt  }
0x50: {  	_ =	shalt  }
0x51: {  	_ =	shalt  }
0x52: {  	_ =	shalt  }
0x53: {  	_ =	shalt  }
0x54: {  	_ =	shalt  }
0x55: {  	_ =	shalt  }
0x56: {  	_ =	shalt  }
0x57: {  	_ =	shalt  }
0x58: {  	_ =	shalt  }
0x59: {  	_ =	shalt  }
0x5a: {  	_ =	shalt  }
0x5b: {  	_ =	shalt  }
0x5c: {  	_ =	shalt  }
0x5d: {  	_ =	shalt  }
0x5e: {  	_ =	shalt  }
0x5f: {  	_ =	shalt  }
0x60: {  	_ =	shalt  }
0x61: {  	_ =	shalt  }
0x62: {  	_ =	shalt  }
0x63: {  	_ =	shalt  }
0x64: {  	_ =	shalt  }
0x65: {  	_ =	shalt  }
0x66: {  	_ =	shalt  }
0x67: {  	_ =	shalt  }
0x68: {  	_ =	shalt  }
0x69: {  	_ =	shalt  }
0x6a: {  	_ =	shalt  }
0x6b: {  	_ =	shalt  }
0x6c: {  	_ =	shalt  }
0x6d: {  	_ =	shalt  }
0x6e: {  	_ =	shalt  }
0x6f: {  	_ =	shalt  }
0x70: {  	_ =	shalt  }
0x71: {  	_ =	shalt  }
0x72: {  	_ =	shalt  }
0x73: {  	_ =	shalt  }
0x74: {  	_ =	shalt  }
0x75: {  	_ =	shalt  }
0x76: {  	_ =	shalt  }
0x77: {  	_ =	shalt  }
0x78: {  	_ =	shalt  }
0x79: {  	_ =	shalt  }
0x7a: {  	_ =	shalt  }
0x7b: {  	_ =	shalt  }
0x7c: {  	_ =	shalt  }
0x7d: {  	_ =	shalt  }
0x7e: {  	_ =	shalt  }
0x7f: {  	_ =	shalt  }
0x80: {  	_ =	shalt  }
0x81: {  	_ =	shalt  }
0x82: {  	_ =	shalt  }
0x83: {  	_ =	shalt  }
0x84: {  	_ =	shalt  }
0x85: {  	_ =	shalt  }
0x86: {  	_ =	shalt  }
0x87: {  	_ =	shalt  }
.Lfunc_end0:
.L_simem_size_0:
called_computation_lowered:
.L_overlay_start_0:
0x88: {  	s2 =	sld [smem:$0x3FD9]  }
0x89: {  	s3 =	sld [smem:$0x3FFE];
	_ =	sdelay $0x1  }
0x8a: {  	s1 =	srdreg.scid  }
0x8b: {  	s0 =	sand.u32 $0x1, s1  }
0x8c: {  	s17 =	sshll.u32 s0, $0xA;
	s2 =	sadd.s32 s3, s2  }
0x8d: {  	s2 =	sadd.s32 s2, s17  }
0x8e: {  	[smem:$0x3FBB] =	sst s2  }
0x8f: {  	_ = 	snop  }
0x90: {  	s2 =	sld [smem:$0x3FD0];
	(tm) =	ssettm $0x1  }
0x91: {  	s18 =	sld [smem:$0x3FFB];
	_ =	sdelay $0x3  }
0x92: {  	_ =	strace s18  }
0x93: {  	s3 =	sld [smem:$0x3FFC];
	_ =	sdelay $0x3  }
0x94: {  	_ =	strace s3  }
0x95: {  	s3 =	sld [smem:$0x3FFD];
	_ =	sdelay $0x3  }
0x96: {  	_ =	strace s3  }
0x97: {  	_ =	strace $0x8FFFFFFF  }
0x98: {  	s19 =	sld [smem:$0x3FDB];
	_ =	sdelay $0x1  }
0x99: {  	s4 =	simm.s32 $_scs_section_size  }
0x9a: {  	s5 =	simm.s32 $_size__tile_overlayer_lowered;
	s6 =	simm.s32 $_tile_overlayer_lowered  }
0x9b: {  	s22 =	simm.s32 $0x1BFF;
	s21 =	sshll.u32 s6, $0x1;
	s3 =	sadd.s32 s4, s19  }
0x9c: {  	s7 =	simm.s32 $0x0;
	s20 =	sshll.u32 s5, $0x1;
	s5 =	sadd.s32 s21, s3  }
0x9d: {  	[timem:s7], [sflag:s22] =	dma.local [hbm:s5], s20  }
0x9e: {  	_ =	swait.ge [sflag:s22], s20  }
0x9f: {  	s4 =	ssub.s32 $0x0, s20;
	[sflag:s22] =	ssyncset.done $0x0  }
0xa0: {  	[sflag:s22] =	ssyncadd.s32 s4;
	_ =	sdelay $0x1  }
0xa1: {  	s23 =	simm.s32 $0x1B8B  }
0xa2: {  	_ =	swait.ge [sflag:s23], $0x1  }
0xa3: {  	[sflag:s23] =	ssyncset.done $0x0  }
0xa4: {  	s25 =	simm.s32 $0x1B8E;
	s24 =	sld [smem:$0x3FFE];
	[sflag:s23] =	ssyncadd.s32 $0xFFFFFFFF  }
0xa5: {  	s26 =	simm.s32 $execute0_lowered;
	[smem:$0x3FD2] =	sst s25  }
0xa6: {  	s5 =	sshll.u32 s26, $0x1;
	_ =	strace $0x80000046;
	[dreg:$0x1] =	wrdreg $0xFFFFFFFF  }
0xa7: {  	s28 =	simm.s32 $_size_execute0_lowered;
	s3 =	sadd.s32 s3, s5;
	[dreg:$0x0] =	wrdreg $0x0  }
0xa8: {  	s5 =	sshll.u32 s28, $0x1;
	[dreg:$0x2] =	wrdreg s3  }
0xa9: {  	[dreg:$0x3] =	wrdreg s5  }
0xaa: {  	[dreg:$0x4] =	wrdreg $0xC0  }
0xab: {  	_ =	task [dreg:s7], $0x5FFFF  }
0xac: {  	[dreg:$0x1] =	wrdreg $0xFFFFFFFF  }
0xad: {  	[dreg:$0x0] =	wrdreg $0x60  }
0xae: {  	[dreg:$0x2] =	wrdreg s24  }
0xaf: {  	[dreg:$0x3] =	wrdreg s2  }
0xb0: {  	[dreg:$0x4] =	wrdreg $0x9  }
0xb1: {  	_ =	task.clear_ibuf [dreg:s7], $0x5FFFF;
	_ =	strace $0x90000046  }
0xb2: {  	s29 =	simm.s32 $0x9;
	_ =	strace $0x80000048  }
0xb3: {  	_ =	swait.ge [sflag:s29], $0x1  }
0xb4: {  	[sflag:s29] =	ssyncadd.s32 $0xFFFFFFFF  }
0xb5: {  	_ =	strace $0x90000048  }
0xb6: {  	_ =	sfence  }
0xb7: {  	s30 =	sld [smem:$0x0];
	_ =	sdelay $0x2  }
0xb8: {  	s31 =	sshll.u32 s1, $0xD;
	s1 =	sshrl.u32 s1, $0x2  }
0xb9: {  	s3 =	sand.u32 $0x4000, s31;
	s1 =	sadd.s32 s1, s30  }
0xba: {  	s0 =	sor.u32 s3, s0;
	s1 =	sshll.u32 s1, $0x11  }
0xbb: {  	s0 =	sor.u32 s1, s0  }
0xbc: {  	s0 =	sadd.s32 $0x8F2B, s0  }
0xbd: {  	[sflag:s0] =	ssyncadd.remote.s32 $0x1  }
0xbe: {  	_ =	sfence.sel $0xFFFF  }
0xbf: {  	[dreg:$0x0] =	wrdreg $0xFFFFFFFF;
	(pc) =	sbr.abs _section_cstart, $3  }
0xc0: {  	[dreg:$0x1] =	wrdreg $0xFFFFFFFF  }
0xc1: {  	_ =	task.clear_ibuf [dreg:s7], $0x2FFFF;
	_ =	strace $0x9FFFFFFF  }
0xc2: {  	(tm) =	ssettm $0x7FFFFFFF  }
0xc3: {  	_ =	shalt  }
tec
execute0_lowered:
.L_overlay_start_1:
0x0: {  	(tag) =	ssettag $0x1  }
0x1: {  	s1 =	srdreg.scid  }
0x2: {  	s4 =	rddreg [dreg:$0x0];
	s0 =	stileid.u32  }
0x3: {  	s5 =	rddreg [dreg:$0x1];
	s2 =	simm.s32 $0x0;
	s11 =	simm.s32 $0x400  }
0x4: {  	s12 =	simm.s32 $0x600;
	s13 =	simm.s32 $0x1;
	s14 =	simm.s32 $0x480  }
0x5: {  	s15 =	simm.s32 $0x4600;
	s16 =	simm.s32 $0x500;
	s17 =	simm.s32 $0x8600  }
0x6: {  	s18 =	simm.s32 $0x580;
	s3 =	sand.u32 $0x1, s1;
	s1 =	rddreg [dreg:$0x2]  }
0x7: {  	s19 =	simm.s32 $0xC600;
	s6 =	sshll.u32 s0, $0xA;
	[smem:$0x7FF] =	sst s2  }
0x8: {  	s7 =	sshll.u32 s3, $0x9;
	_ =	strace $0x80000047;
	s9 =	ssub.s32 $0x2, s3  }
0x9: {  	s3 =	sadd.s32 $0x2200, s4;
	s6 =	sor.u32 s7, s6;
	s10 =	sshrl.u32 s9, $0x1  }
0xa: {  	s7 =	sshrl.u32 s6, $0x3;
	s6 =	sshll.u32 s6, $0x4;
	s9 =	ssub.s32 s9, s10  }
0xb: {  	s10 =	simm.s32 $0x80;
	s8 =	sadd.s32 s7, s4;
	s6 =	sadd.s32 s6, s4  }
0xc: {  	s5 =	sadd.s32 s5, s7;
	s7 =	smax.u32 s9, $0x1;
	s9 =	simm.s32 $0x200  }
0xd: {  	s4 =	sadd.s32 $0x1A00, s8;
	s6 =	sadd.s32 $0x9200, s6;
	s8 =	simm.s32 $0x2  }
.LBB2_1:
0xe: {  	[tilespmem:s2], [sflag:$0x2] =	stream.linear.gather [hbm4b:s4+s2], $0x200, $0x38;
	[tilespmem:$0x10600] =	vst v63  }
0xf: {  	_ =	swait.ge [sflag:s8], $0x200  }
0x10: {  	[sflag:s8] =	ssyncset.done $0x0  }
0x11: {  	[sflag:s8] =	ssyncadd.s32 $0xFFFFFE00  }
0x12: {  	[tilespmem:s9], [sflag:$0x2] =	stream.linear.gather [hbm4b:s5+s2], $0x200, $0x38;
	[tilespmem:$0x10600] =	vst v63  }
0x13: {  	_ =	swait.ge [sflag:s8], $0x200  }
0x14: {  	[sflag:s8] =	ssyncset.done $0x0  }
0x15: {  	[sflag:s8] =	ssyncadd.s32 $0xFFFFFE00  }
0x16: {  	v0 =	vld [tilespmem:$0x0]  }
0x17: {  	v1 =	vld [tilespmem:$0x200]  }
0x18: {  	v2 =	vld [tilespmem:$0x10]  }
0x19: {  	v3 =	vld [tilespmem:$0x210]  }
0x1a: {  	v4 =	vld [tilespmem:$0x20]  }
0x1b: {  	v5 =	vld [tilespmem:$0x220]  }
0x1c: {  	v6 =	vld [tilespmem:$0x30]  }
0x1d: {  	v7 =	vld [tilespmem:$0x230]  }
0x1e: {  	v8 =	vld [tilespmem:$0x40]  }
0x1f: {  	v9 =	vld [tilespmem:$0x240]  }
0x20: {  	v27 =	vld [tilespmem:$0x50]  }
0x21: {  	v10 =	vld [tilespmem:$0x250]  }
0x22: {  	v11 =	vld [tilespmem:$0x60]  }
0x23: {  	v30 =	vld [tilespmem:$0x260]  }
0x24: {  	v33 =	vld [tilespmem:$0x70]  }
0x25: {  	v12 =	vld [tilespmem:$0x270]  }
0x26: {  	v13 =	vld [tilespmem:$0x80]  }
0x27: {  	v36 =	vld [tilespmem:$0x280]  }
0x28: {  	v14 =	vld [tilespmem:$0x290]  }
0x29: {  	v15 =	vld [tilespmem:$0xA0]  }
0x2a: {  	v41 =	vld [tilespmem:$0x2A0]  }
0x2b: {  	v16 =	vld [tilespmem:$0x2B0]  }
0x2c: {  	v17 =	vld [tilespmem:$0xC0];
	v0 =	vtrunc.f32 v0;
	v1 =	vtrunc.f32 v1  }
0x2d: {  	v46 =	vld [tilespmem:$0x2C0];
	v2 =	vtrunc.f32 v2;
	v3 =	vtrunc.f32 v3  }
0x2e: {  	v18 =	vld [tilespmem:$0x2D0];
	v4 =	vtrunc.f32 v4;
	v26 =	vtrunc.f32 v5  }
0x2f: {  	v19 =	vld [tilespmem:$0xE0];
	v6 =	vtrunc.f32 v6;
	v7 =	vtrunc.f32 v7  }
0x30: {  	v51 =	vld [tilespmem:$0x2E0];
	v29 =	vtrunc.f32 v8;
	v32 =	vtrunc.f32 v9  }
0x31: {  	v20 =	vld [tilespmem:$0x2F0];
	v5 =	vtrunc.f32 v27;
	v10 =	vtrunc.f32 v10  }
0x32: {  	v21 =	vld [tilespmem:$0x100];
	v35 =	vtrunc.f32 v11;
	v8 =	vtrunc.f32 v30  }
0x33: {  	v56 =	vld [tilespmem:$0x300];
	v9 =	vtrunc.f32 v33;
	v12 =	vtrunc.f32 v12  }
0x34: {  	v22 =	vld [tilespmem:$0x310];
	v40 =	vtrunc.f32 v13;
	v11 =	vtrunc.f32 v36  }
0x35: {  	v23 =	vld [tilespmem:$0x120];
	v14 =	vtrunc.f32 v14;
	v45 =	vtrunc.f32 v15  }
0x36: {  	v61 =	vld [tilespmem:$0x320];
	v13 =	vtrunc.f32 v41;
	v16 =	vtrunc.f32 v16  }
0x37: {  	v63 =	vld [tilespmem:$0x130];
	v50 =	vtrunc.f32 v17;
	v15 =	vtrunc.f32 v46  }
0x38: {  	v18 =	vtrunc.f32 v18;
	v55 =	vtrunc.f32 v19  }
0x39: {  	v17 =	vtrunc.f32 v51;
	v20 =	vtrunc.f32 v20  }
0x3a: {  	v60 =	vtrunc.f32 v21;
	v19 =	vtrunc.f32 v56  }
0x3b: {  	v22 =	vtrunc.f32 v22;
	v27 =	vtrunc.f32 v23  }
0x3c: {  	v30 =	vtrunc.f32 v61;
	v33 =	vtrunc.f32 v63  }
0x3d: {  	v0 =	vcvt.f32.s32 v0;
	v1 =	vcvt.f32.s32 v1  }
0x3e: {  	v2 =	vcvt.f32.s32 v2;
	v3 =	vcvt.f32.s32 v3  }
0x3f: {  	v25 =	vcvt.f32.s32 v4;
	v4 =	vcvt.f32.s32 v26  }
0x40: {  	v6 =	vcvt.f32.s32 v6;
	v28 =	vcvt.f32.s32 v7  }
0x41: {  	v38 =	vld [tilespmem:$0x90];
	v31 =	vcvt.f32.s32 v29;
	v7 =	vcvt.f32.s32 v32  }
0x42: {  	v5 =	vcvt.f32.s32 v5;
	v34 =	vcvt.f32.s32 v10  }
0x43: {  	v43 =	vld [tilespmem:$0xB0];
	v37 =	vcvt.f32.s32 v35;
	v8 =	vcvt.f32.s32 v8  }
0x44: {  	v9 =	vcvt.f32.s32 v9;
	v39 =	vcvt.f32.s32 v12  }
0x45: {  	v48 =	vld [tilespmem:$0xD0];
	v42 =	vcvt.f32.s32 v40;
	v11 =	vcvt.f32.s32 v11  }
0x46: {  	v10 =	vtrunc.f32 v38;
	v44 =	vcvt.f32.s32 v14  }
0x47: {  	v53 =	vld [tilespmem:$0xF0];
	v47 =	vcvt.f32.s32 v45;
	v13 =	vcvt.f32.s32 v13  }
0x48: {  	v12 =	vtrunc.f32 v43;
	v49 =	vcvt.f32.s32 v16  }
0x49: {  	v58 =	vld [tilespmem:$0x110];
	v52 =	vcvt.f32.s32 v50;
	v15 =	vcvt.f32.s32 v15  }
0x4a: {  	v14 =	vtrunc.f32 v48;
	v54 =	vcvt.f32.s32 v18  }
0x4b: {  	v57 =	vcvt.f32.s32 v55;
	v17 =	vcvt.f32.s32 v17  }
0x4c: {  	v16 =	vtrunc.f32 v53;
	v59 =	vcvt.f32.s32 v20  }
0x4d: {  	v62 =	vcvt.f32.s32 v60;
	v19 =	vcvt.f32.s32 v19  }
0x4e: {  	v18 =	vtrunc.f32 v58;
	v26 =	vcvt.f32.s32 v22  }
0x4f: {  	v36 =	vcvt.f32.s32 v33;
	v10 =	vcvt.f32.s32 v10  }
0x50: {  	v12 =	vcvt.f32.s32 v12;
	v14 =	vcvt.f32.s32 v14  }
0x51: {  	v16 =	vcvt.f32.s32 v16;
	v18 =	vcvt.f32.s32 v18  }
0x52: {  	v21 =	vld [tilespmem:$0x1B0];
	v0 =	vmul.u32 $0x21, v0;
	v2 =	vmul.u32 $0x21, v2;
	v6 =	vmul.u32 $0x21, v6  }
0x53: {  	v24 =	vld [tilespmem:$0x330];
	v5 =	vmul.u32 $0x21, v5;
	v9 =	vmul.u32 $0x21, v9;
	v45 =	vmul.u32 $0x21, v36  }
0x54: {  	v41 =	vld [tilespmem:$0x360];
	v10 =	vmul.u32 $0x21, v10;
	v12 =	vmul.u32 $0x21, v12;
	v14 =	vmul.u32 $0x21, v14  }
0x55: {  	v53 =	vld [tilespmem:$0x380];
	v16 =	vmul.u32 $0x21, v16;
	v32 =	vmul.u32 $0x21, v18;
	v0 =	vadd.s32 v1, v0  }
0x56: {  	v63 =	vld [tilespmem:$0x3A0];
	v1 =	vmul.u32 $0x21, v25;
	v2 =	vadd.s32 v3, v2;
	v3 =	vadd.s32 v28, v6  }
0x57: {  	v5 =	vadd.s32 v34, v5;
	v6 =	vadd.s32 v39, v9;
	v25 =	vld [tilespmem:$0x140];
	v36 =	vtrunc.f32 v21  }
0x58: {  	v28 =	vld [tilespmem:$0x340];
	v9 =	vadd.s32 v44, v10;
	v10 =	vadd.s32 v49, v12;
	v12 =	vadd.s32 v54, v14  }
0x59: {  	v34 =	vld [tilespmem:$0x350];
	[tilespmem:$0x400] =	vst v0;
	v0 =	vadd.s32 v59, v16;
	v16 =	vcvt.f32.s32 v27;
	v54 =	vtrunc.f32 v41  }
0x5a: {  	v20 =	vtrunc.f32 v53;
	v1 =	vadd.s32 v4, v1;
	v4 =	vmul.u32 $0x21, v31;
	[tilespmem:$0x490] =	vst v9  }
0x5b: {  	v44 =	vld [tilespmem:$0x170];
	v9 =	vcvt.f32.s32 v54;
	[tilespmem:$0x420] =	vst v1;
	v1 =	vadd.s32 v26, v32;
	v32 =	vtrunc.f32 v63  }
0x5c: {  	v31 =	vld [tilespmem:$0x150];
	v4 =	vadd.s32 v7, v4;
	v7 =	vmul.u32 $0x21, v37;
	v37 =	vtrunc.f32 v24  }
0x5d: {  	v22 =	vld [tilespmem:$0x3B0];
	v39 =	vcvt.f32.s32 v37;
	v40 =	vtrunc.f32 v25  }
0x5e: {  	v43 =	vtrunc.f32 v28;
	v49 =	vtrunc.f32 v34  }
0x5f: {  	[tilespmem:$0x410] =	vst v2;
	v26 =	vld [tilespmem:$0x1C0];
	v7 =	vadd.s32 v8, v7;
	v8 =	vmul.u32 $0x21, v42;
	v42 =	vcvt.f32.s32 v40  }
0x60: {  	v38 =	vld [tilespmem:$0x160];
	[tilespmem:$0x430] =	vst v3;
	v14 =	vcvt.f32.s32 v43;
	v51 =	vcvt.f32.s32 v49  }
0x61: {  	v55 =	vld [tilespmem:$0x190];
	[tilespmem:$0x450] =	vst v5;
	v35 =	vmul.u32 $0x21, v16;
	v56 =	vtrunc.f32 v44;
	v46 =	vtrunc.f32 v31  }
0x62: {  	[tilespmem:$0x440] =	vst v4;
	v4 =	vadd.s32 v39, v45;
	v58 =	vcvt.f32.s32 v56;
	v39 =	vtrunc.f32 v22  }
0x63: {  	[tilespmem:$0x470] =	vst v6;
	v40 =	vld [tilespmem:$0x1E0];
	v8 =	vadd.s32 v11, v8;
	v11 =	vmul.u32 $0x21, v47;
	v48 =	vcvt.f32.s32 v46  }
0x64: {  	[tilespmem:$0x4B0] =	vst v10;
	v43 =	vld [tilespmem:$0x1F0];
	v5 =	vmul.u32 $0x21, v42;
	v41 =	vcvt.f32.s32 v39;
	v42 =	vtrunc.f32 v26  }
0x65: {  	[tilespmem:$0x4D0] =	vst v12;
	v37 =	vld [tilespmem:$0x3D0];
	v44 =	vcvt.f32.s32 v42;
	v11 =	vadd.s32 v13, v11;
	v13 =	vmul.u32 $0x21, v52  }
0x66: {  	v33 =	vld [tilespmem:$0x1D0];
	[tilespmem:$0x4F0] =	vst v0;
	v52 =	vtrunc.f32 v38;
	v5 =	vadd.s32 v14, v5;
	v14 =	vtrunc.f32 v55  }
0x67: {  	v47 =	vld [tilespmem:$0x370];
	[tilespmem:$0x480] =	vst v8;
	v10 =	vmul.u32 $0x21, v58;
	v38 =	vcvt.f32.s32 v36;
	v8 =	vcvt.f32.s32 v52  }
0x68: {  	v46 =	vld [tilespmem:$0x3E0];
	v6 =	vmul.u32 $0x21, v48;
	[tilespmem:$0x4A0] =	vst v11;
	v11 =	vcvt.f32.s32 v20;
	v24 =	vcvt.f32.s32 v14  }
0x69: {  	[tilespmem:$0x510] =	vst v1;
	v54 =	vtrunc.f32 v40;
	v56 =	vtrunc.f32 v43;
	v13 =	vadd.s32 v15, v13  }
0x6a: {  	v50 =	vld [tilespmem:$0x180];
	[tilespmem:$0x530] =	vst v4;
	v15 =	vmul.u32 $0x21, v57;
	v6 =	vadd.s32 v51, v6;
	v51 =	vtrunc.f32 v37  }
0x6b: {  	v60 =	vld [tilespmem:$0x1A0];
	[tilespmem:$0x540] =	vst v5;
	v4 =	vmul.u32 $0x21, v38;
	v55 =	vcvt.f32.s32 v54;
	v5 =	vcvt.f32.s32 v56  }
0x6c: {  	[tilespmem:$0x460] =	vst v7;
	v57 =	vld [tilespmem:$0x390];
	v8 =	vmul.u32 $0x21, v8;
	v59 =	vtrunc.f32 v47;
	v47 =	vtrunc.f32 v33  }
0x6d: {  	v48 =	vld [tilespmem:$0x3F0];
	[tilespmem:$0x4C0] =	vst v13;
	v34 =	vmul.u32 $0x21, v24;
	v53 =	vcvt.f32.s32 v51;
	v58 =	vtrunc.f32 v46  }
0x6e: {  	[tilespmem:$0x550] =	vst v6;
	v15 =	vadd.s32 v17, v15;
	v17 =	vmul.u32 $0x21, v62;
	v61 =	vcvt.f32.s32 v59  }
0x6f: {  	v62 =	vtrunc.f32 v50;
	v50 =	vcvt.f32.s32 v47;
	v52 =	vadd.s32 v41, v4;
	[tilespmem:$0x4E0] =	vst v15  }
0x70: {  	v8 =	vadd.s32 v9, v8;
	[tilespmem:$0x5B0] =	vst v52;
	v29 =	vadd.s32 v19, v17;
	v19 =	vcvt.f32.s32 v62  }
0x71: {  	v17 =	vcvt.f32.s32 v30;
	v27 =	vadd.s32 v61, v10;
	[tilespmem:$0x560] =	vst v8;
	v25 =	vtrunc.f32 v57  }
0x72: {  	v30 =	vld [tilespmem:$0x3C0];
	[tilespmem:$0x500] =	vst v29;
	v29 =	vtrunc.f32 v60;
	v60 =	vtrunc.f32 v48;
	v23 =	vmul.u32 $0x21, v19  }
0x73: {  	[tilespmem:$0x570] =	vst v27;
	v3 =	vadd.s32 v17, v35;
	v28 =	vcvt.f32.s32 v25;
	v31 =	vcvt.f32.s32 v29  }
0x74: {  	v62 =	vmul.u32 $0x21, v5;
	v61 =	vcvt.f32.s32 v60;
	[tilespmem:$0x520] =	vst v3;
	v0 =	vadd.s32 v11, v23  }
0x75: {  	v35 =	vcvt.f32.s32 v32;
	v1 =	vmul.u32 $0x21, v31;
	v3 =	vadd.s32 v28, v34;
	[tilespmem:$0x580] =	vst v0  }
0x76: {  	v59 =	vcvt.f32.s32 v58;
	v57 =	vmul.u32 $0x21, v50;
	v63 =	vadd.s32 v61, v62;
	[tilespmem:$0x590] =	vst v3  }
0x77: {  	v45 =	vtrunc.f32 v30;
	v3 =	vmul.u32 $0x21, v55;
	[tilespmem:$0x5F0] =	vst v63;
	v1 =	vadd.s32 v35, v1  }
0x78: {  	v49 =	vmul.u32 $0x21, v44;
	v7 =	vcvt.f32.s32 v45;
	[tilespmem:$0x5A0] =	vst v1;
	v1 =	vadd.s32 v53, v57  }
0x79: {  	v0 =	vadd.s32 v59, v3;
	[tilespmem:$0x5D0] =	vst v1  }
0x7a: {  	v2 =	vadd.s32 v7, v49;
	[tilespmem:$0x5E0] =	vst v0  }
0x7b: {  	[tilespmem:$0x5C0] =	vst v2  }
0x7c: {  	[tilespmem:s12], [sflag:$0x1] =	stream.indirect.gather [hbm4b:s3+s10], $0x80, s11, s10, $0xb8;
	[tilespmem:$0x10600] =	vst v63  }
0x7d: {  	_ =	swait.ge [sflag:s13], $0x4000  }
0x7e: {  	[sflag:s13] =	ssyncset.done $0x0  }
0x7f: {  	[sflag:s13] =	ssyncadd.s32 $0xFFFFC000  }
0x80: {  	[tilespmem:s15], [sflag:$0x1] =	stream.indirect.gather [hbm4b:s3+s10], $0x80, s14, s10, $0xb8;
	[tilespmem:$0x10600] =	vst v63  }
0x81: {  	_ =	swait.ge [sflag:s13], $0x4000  }
0x82: {  	[sflag:s13] =	ssyncset.done $0x0  }
0x83: {  	[sflag:s13] =	ssyncadd.s32 $0xFFFFC000  }
0x84: {  	[tilespmem:s17], [sflag:$0x1] =	stream.indirect.gather [hbm4b:s3+s10], $0x80, s16, s10, $0xb8;
	[tilespmem:$0x10600] =	vst v63  }
0x85: {  	_ =	swait.ge [sflag:s13], $0x4000  }
0x86: {  	[sflag:s13] =	ssyncset.done $0x0  }
0x87: {  	[sflag:s13] =	ssyncadd.s32 $0xFFFFC000  }
0x88: {  	[tilespmem:s19], [sflag:$0x1] =	stream.indirect.gather [hbm4b:s3+s10], $0x80, s18, s10, $0xb8;
	[tilespmem:$0x10600] =	vst v63  }
0x89: {  	_ =	swait.ge [sflag:s13], $0x4000  }
0x8a: {  	p0 =	sne.s32 s7, $0x1;
	[sflag:s13] =	ssyncset.done $0x0  }
.Ltmp0:
0x8b: {  	[sflag:s13] =	ssyncadd.s32 $0xFFFFC000;
	(pc) =	sbr.rel @p0 .LBB2_1-.Ltmp0, $4  }
0x8c: {  	[hbm4b:s6+s2] =	stream.linear.scatter [tilespmem:s12], [sflag:$0x2], $0x10000, $0x38;
	[tilespmem:$0x10600] =	vst v63  }
0x8d: {  	_ =	swait.ge [sflag:s8], $0x10000  }
0x8e: {  	[sflag:s8] =	ssyncset.done $0x0  }
0x8f: {  	s7 =	sadd.s32 $0xFFFFFFFF, s7;
	[sflag:s8] =	ssyncadd.s32 $0xFFFF0000  }
0x90: {  	_ =	sfence.sel $0x180000  }
0x91: {  	[bflag:$0x0] =	sbarrier.arrive $0xFFFF  }
0x92: {  	p0 =	sne.s32 s0, $0x0;
	_ =	strace $0x90000047  }
0x93: {  	s0 =	sadd.s32 @!p0 $0x100000, s1;
	[bflag:$0x2] =	sbarrier.arrive $0xFFFF  }
0x94: {  	[sflag:s0] =	ssyncadd.tile.s32 @!p0 $0x1;
	_ =	shalt  }
.Lfunc_end2:
_tile_overlayer_lowered:
.L_overlay_start_2:
0x95: {  	(tag) =	ssettag $0x2  }
0x96: {  	s0 =	rddreg [dreg:$0x0];
	s2 =	stileid.u32  }
0x97: {  	s1 =	rddreg [dreg:$0x1];
	p0 =	sne.s32 s2, $0x0  }
0x98: {  	s3 =	rddreg [dreg:$0x2];
	[bflag:$0x3] =	sbarrier.arrive $0xFFFF;
	s2 =	simm.s32 @!p0 $0x1C02  }
0x99: {  	[timem:s3], [sflag:s2] =	dma.local @!p0 [hbm:s0], s1  }
0x9a: {  	s0 =	simm.s32 @!p0 $0x2  }
0x9b: {  	_ =	swait.ge @!p0 [sflag:s0], s1  }
0x9c: {  	s1 =	ssub.s32 @!p0 $0x0, s1;
	[sflag:s0] =	ssyncset.done @!p0 $0x0  }
0x9d: {  	[sflag:s0] =	ssyncadd.s32 @!p0 s1  }
0x9e: {  	[bflag:$0x3] =	sbarrier.arrive $0xFFFF  }
0x9f: {  	_ =	shalt  }

</sc_bundles>
